<compile_context>
chip_gen: v7x
topology: tpu7x:2x2x1
jax: 0.10.2.dev20260603
libtpu: 0.0.44.dev20260713+nightly
codegen_flags: <defaults>
</compile_context>

<pallas_src>
import jax
import jax.numpy as jnp
from jax import lax
from jax.experimental import pallas as pl
from jax.experimental.pallas import tpu as pltpu
from jax.experimental.pallas import tpu_sc as plsc

HIDDEN = 1024
NUM_EXPERTS = 8
EXPERT_SIZE = 2048
TOKENS = 2048
BLOCK = 512
NBLOCKS = TOKENS // BLOCK + NUM_EXPERTS - 1
PADDED = NBLOCKS * BLOCK
BE_LEN = 32

NC = 2
NS = 16
NW = NC * NS
LANES = 16
TOK_PER_W = TOKENS // NW

_SC_MESH = plsc.VectorSubcoreMesh(core_axis_name="c", subcore_axis_name="s")


def _gate_body(x_ref, wg_ref, bg_ref, o_ref):
    logits = lax.dot_general(
        x_ref[...], wg_ref[...], (((1,), (1,)), ((), ())),
        preferred_element_type=jnp.float32)
    logits = logits + bg_ref[...]
    o_ref[...] = jnp.argmax(logits, axis=1).astype(jnp.int32)[:, None]


def _gate(x_flat, Wg, bg):
    eidx = pl.pallas_call(
        _gate_body,
        out_shape=jax.ShapeDtypeStruct((TOKENS, 1), jnp.int32),
    )(x_flat, Wg, bg.reshape(1, NUM_EXPERTS))
    return eidx.reshape(TOKENS)


def _route_body(eidx_hbm, x_hbm, pos_hbm, be_hbm, xs_hbm,
                eidx_v, rank_v, pos_v, pos64_v, base_v, be_v, rows_v, sem):
    wid = lax.axis_index("s") * NC + lax.axis_index("c")
    lane = lax.iota(jnp.int32, LANES)

    with jax.named_scope("eidx_copy"):
        pltpu.sync_copy(eidx_hbm, eidx_v)

    tbase = wid * TOK_PER_W
    xread = pltpu.async_copy(x_hbm.at[pl.ds(tbase, TOK_PER_W)], rows_v, sem)

    base_v[...] = jnp.zeros((LANES,), jnp.int32)

    def count_step(g, carry):
        v = eidx_v[pl.ds(g * LANES, LANES)]
        cnt, last = plsc.scan_count(v)
        base = plsc.load_gather(base_v, [v])
        rank_v[pl.ds(g * LANES, LANES)] = base + cnt - 1
        plsc.store_scatter(base_v, [v], base + cnt, mask=last)
        return carry

    with jax.named_scope("pass1"):
        lax.fori_loop(0, TOKENS // LANES, count_step, 0)

    counts = base_v[...]
    blocks = (counts + (BLOCK - 1)) // BLOCK
    cumblk = plsc.cumsum(blocks)
    base_v[...] = (cumblk - blocks) * BLOCK

    be_v[pl.ds(0, LANES)] = jnp.zeros((LANES,), jnp.int32)
    be_v[pl.ds(LANES, LANES)] = jnp.zeros((LANES,), jnp.int32)

    def pos_step(g, carry):
        v = eidx_v[pl.ds(g * LANES, LANES)]
        r = rank_v[pl.ds(g * LANES, LANES)]
        p = r + plsc.load_gather(base_v, [v])
        pos_v[pl.ds(g * LANES, LANES)] = p
        plsc.store_scatter(be_v, [p // BLOCK], v)
        return carry

    with jax.named_scope("pass2"):
        lax.fori_loop(0, TOKENS // LANES, pos_step, 0)

    pltpu.sync_copy(pos_v.at[pl.ds(tbase, TOK_PER_W)],
                    pos_hbm.at[pl.ds(tbase, TOK_PER_W)])

    @pl.when(wid == 0)
    def _():
        nused = jnp.full((LANES,), jnp.max(cumblk))
        last_e = plsc.load_gather(be_v, [nused - 1])
        for gi in range(BE_LEN // LANES):
            bidx = lane + gi * LANES
            cur = be_v[pl.ds(gi * LANES, LANES)]
            keep = ((bidx - nused) >> 31) & 1
            fixed = keep * cur + (1 - keep) * last_e
            fixed = jnp.where(bidx == NBLOCKS, nused, fixed)
            be_v[pl.ds(gi * LANES, LANES)] = fixed
        pltpu.sync_copy(be_v, be_hbm)

    with jax.named_scope("rowscatter"):
        for i in range(TOK_PER_W // LANES):
            pos64_v[pl.ds(i * LANES, LANES)] = (
                pos_v[pl.ds(tbase + i * LANES, LANES)])
        xread.wait()
        pltpu.async_copy(rows_v, xs_hbm.at[pos64_v], sem).wait()


def _route_and_gather(eidx, x_flat):
    return pl.kernel(
        _route_body,
        out_type=[
            jax.ShapeDtypeStruct((TOKENS,), jnp.int32),
            jax.ShapeDtypeStruct((BE_LEN,), jnp.int32),
            jax.ShapeDtypeStruct((PADDED, HIDDEN), jnp.float32),
        ],
        mesh=_SC_MESH,
        compiler_params=pltpu.CompilerParams(needs_layout_passes=False),
        scratch_types=[
            pltpu.VMEM((TOKENS,), jnp.int32),
            pltpu.VMEM((TOKENS,), jnp.int32),
            pltpu.VMEM((TOKENS,), jnp.int32),
            pltpu.VMEM((TOK_PER_W,), jnp.int32),
            pltpu.VMEM((LANES,), jnp.int32),
            pltpu.VMEM((BE_LEN,), jnp.int32),
            pltpu.VMEM((TOK_PER_W, HIDDEN), jnp.float32),
            pltpu.SemaphoreType.DMA,
        ],
    )(eidx, x_flat)


def _combine_body(y_hbm, pos_hbm, out_hbm, pos_v, rows_v, sem):
    wid = lax.axis_index("s") * NC + lax.axis_index("c")
    base = wid * TOK_PER_W
    pltpu.sync_copy(pos_hbm.at[pl.ds(base, TOK_PER_W)], pos_v)
    pltpu.async_copy(y_hbm.at[pos_v], rows_v, sem).wait()
    pltpu.sync_copy(rows_v, out_hbm.at[pl.ds(base, TOK_PER_W)])


def _combine(y_sorted, sorted_pos):
    return pl.kernel(
        _combine_body,
        out_type=jax.ShapeDtypeStruct((TOKENS, HIDDEN), jnp.float32),
        mesh=_SC_MESH,
        compiler_params=pltpu.CompilerParams(needs_layout_passes=False),
        scratch_types=[
            pltpu.VMEM((TOK_PER_W,), jnp.int32),
            pltpu.VMEM((TOK_PER_W, HIDDEN), jnp.float32),
            pltpu.SemaphoreType.DMA,
        ],
    )(y_sorted, sorted_pos)


def _mlp_body(be_ref, x_ref, w1_ref, b1_ref, w2_ref, b2_ref, o_ref):
    i = pl.program_id(0)
    nused = be_ref[NBLOCKS]

    @pl.when(i < nused)
    def _():
        h = lax.dot_general(
            x_ref[...], w1_ref[0], (((1,), (1,)), ((), ())),
            preferred_element_type=jnp.float32)
        h = jnp.maximum(h + b1_ref[0, 0], 0.0)
        o_ref[...] = lax.dot_general(
            h, w2_ref[0], (((1,), (1,)), ((), ())),
            preferred_element_type=jnp.float32) + b2_ref[0, 0]


def _expert_mlp(x_sorted, W1, b1, W2, b2, block_expert):
    grid_spec = pltpu.PrefetchScalarGridSpec(
        num_scalar_prefetch=1,
        grid=(NBLOCKS,),
        in_specs=[
            pl.BlockSpec((BLOCK, HIDDEN), lambda i, be: (i, 0)),
            pl.BlockSpec((1, EXPERT_SIZE, HIDDEN), lambda i, be: (be[i], 0, 0)),
            pl.BlockSpec((1, 1, EXPERT_SIZE), lambda i, be: (be[i], 0, 0)),
            pl.BlockSpec((1, HIDDEN, EXPERT_SIZE), lambda i, be: (be[i], 0, 0)),
            pl.BlockSpec((1, 1, HIDDEN), lambda i, be: (be[i], 0, 0)),
        ],
        out_specs=pl.BlockSpec((BLOCK, HIDDEN), lambda i, be: (i, 0)),
    )
    return pl.pallas_call(
        _mlp_body,
        grid_spec=grid_spec,
        out_shape=jax.ShapeDtypeStruct((PADDED, HIDDEN), jnp.float32),
        compiler_params=pltpu.CompilerParams(
            vmem_limit_bytes=110 * 1024 * 1024),
    )(block_expert, x_sorted, W1,
      b1.reshape(NUM_EXPERTS, 1, EXPERT_SIZE),
      W2, b2.reshape(NUM_EXPERTS, 1, HIDDEN))


def kernel(x, Wg, bg, W1, b1, W2, b2):
    batch, seq, hidden = x.shape
    x_flat = x.reshape(-1, hidden)
    eidx = _gate(x_flat, Wg, bg)
    sorted_pos, block_expert, x_sorted = _route_and_gather(eidx, x_flat)
    y_sorted = _expert_mlp(x_sorted, W1, b1, W2, b2, block_expert)
    out = _combine(y_sorted, sorted_pos)
    return out.reshape(batch, seq, hidden)

# --- scband reference (transcript-rebuilt; emitter-appended) ---
"""Pipeline reference for scband-mo-elayer-13383118094835 (READ-ONLY COPY).

The authoritative reference and input builder live on the scoring server;
editing this copy changes nothing except your own understanding.
"""

import jax, jax.numpy as jnp
import numpy as np

HIDDEN = 1024
NUM_EXPERTS = 8
EXPERT_SIZE = 2048
BATCH = 1
SEQ = 2048


def setup_inputs(seed: int = 0) -> dict:
    key = jax.random.key(seed)
    ks = jax.random.split(key, 8)
    x = jax.random.normal(ks[0], (BATCH, SEQ, HIDDEN), dtype=jnp.float32)
    # gate: nn.Linear(hidden_size, num_experts)
    Wg = jax.random.normal(ks[1], (NUM_EXPERTS, HIDDEN), dtype=jnp.float32) * 0.02
    bg = jnp.zeros((NUM_EXPERTS,), dtype=jnp.float32)
    # experts: Linear(hidden, expert_size) -> ReLU -> Linear(expert_size, hidden), stacked over E
    W1 = jax.random.normal(ks[2], (NUM_EXPERTS, EXPERT_SIZE, HIDDEN), dtype=jnp.float32) * 0.02
    b1 = jnp.zeros((NUM_EXPERTS, EXPERT_SIZE), dtype=jnp.float32)
    W2 = jax.random.normal(ks[3], (NUM_EXPERTS, HIDDEN, EXPERT_SIZE), dtype=jnp.float32) * 0.02
    b2 = jnp.zeros((NUM_EXPERTS, HIDDEN), dtype=jnp.float32)
    return {"x": x, "Wg": Wg, "bg": bg, "W1": W1, "b1": b1, "W2": W2, "b2": b2}


def reference(x, Wg, bg, W1, b1, W2, b2):
    batch_size, seq_len, hidden_size = x.shape
    x_flat = x.reshape(-1, hidden_size)
    gate_logits = x_flat @ Wg.T + bg
    gate_probs = jax.nn.softmax(gate_logits, axis=-1)
    expert_indices = jnp.argmax(gate_probs, axis=-1)
    local_output = jnp.zeros_like(x_flat)
    num_experts = W1.shape[0]
    for e in range(num_experts):
        h = jax.nn.relu(x_flat @ W1[e].T + b1[e])
        y = h @ W2[e].T + b2[e]
        mask = (expert_indices == e)[:, None]
        # scatter-overwrite semantics: tokens routed to expert e get expert output,
        # others keep previous value (zeros if unrouted) -- matches x_flat[mask] = out
        local_output = jnp.where(mask, y, local_output)
    return local_output.reshape(batch_size, seq_len, hidden_size)

if __name__ == "__main__":
    import jax
    _d = setup_inputs()
    print(jax.jit(kernel)(*tuple(_d.values())))

</pallas_src>

<mosaic_0001>
#map = affine_map<(d0, d1) -> (0, 0)>
#map1 = affine_map<(d0, d1) -> (0)>
module attributes {stable_mosaic.version = 14 : i64} {
  func.func @_combine_body(%arg0: i32, %arg1: i32, %arg2: memref<5632x1024xf32, #tpu.memory_space<hbm>>, %arg3: memref<2048xi32, #tpu.memory_space<hbm>>, %arg4: memref<2048x1024xf32, #tpu.memory_space<hbm>>, %arg5: memref<64xi32, #tpu.memory_space<vmem>>, %arg6: memref<64x1024xf32, #tpu.memory_space<vmem>>, %arg7: memref<!tpu.dma_semaphore, #tpu.memory_space<semaphore_mem>>) attributes {dimension_semantics = [#tpu.dimension_semantics<core_parallel>, #tpu.dimension_semantics<subcore_parallel>], iteration_bounds = array<i64: 2, 16>, scalar_prefetch = 0 : i64, scratch_operands = 3 : i64, tpu.core_type = #tpu.core_type<sc_vector_subcore>, window_params = [{transform_indices = #map}, {transform_indices = #map1}, {transform_indices = #map}]} {
    %mul3A = arith.constant 2 : i32
    %mul3A_0 = arith.muli %arg1, %mul3A : i32
    %add3A = arith.addi %mul3A_0, %arg0 : i32
    %mul3A_1 = arith.constant 64 : i32
    %mul3A_2 = arith.muli %add3A, %mul3A_1 : i32
    "tpu.region"() ({
      %run_scoped3A = tpu.sem_alloc : memref<!tpu.dma_semaphore, #tpu.memory_space<semaphore_mem>>
      %dma_start3A_7 = tpu.memref_slice %arg3[%mul3A_2] : memref<2048xi32, #tpu.memory_space<hbm>> -> memref<64xi32, #tpu.memory_space<hbm>>
      %dma_start3A_8 = tpu.memref_slice %arg3[%mul3A_2] : memref<2048xi32, #tpu.memory_space<hbm>> -> memref<64xi32, #tpu.memory_space<hbm>>
      tpu.enqueue_dma source(%dma_start3A_8 : memref<64xi32, #tpu.memory_space<hbm>>) target(%arg5 : memref<64xi32, #tpu.memory_space<vmem>>) target_semaphore(%run_scoped3A : memref<!tpu.dma_semaphore, #tpu.memory_space<semaphore_mem>>)
      %dma_wait3A_9 = tpu.memref_slice %arg3[%mul3A_2] : memref<2048xi32, #tpu.memory_space<hbm>> -> memref<64xi32, #tpu.memory_space<hbm>>
      %dma_wait3A_10 = tpu.memref_slice %arg3[%mul3A_2] : memref<2048xi32, #tpu.memory_space<hbm>> -> memref<64xi32, #tpu.memory_space<hbm>>
      tpu.wait_dma2 semaphore(%run_scoped3A : memref<!tpu.dma_semaphore, #tpu.memory_space<semaphore_mem>>) src(%dma_wait3A_10 : memref<64xi32, #tpu.memory_space<hbm>>) dst(%arg5 : memref<64xi32, #tpu.memory_space<vmem>>)
      tpu.yield
    }) : () -> ()
    %dma_start3A = arith.constant 0 : i32
    %dma_start3A_3 = arith.constant 0 : i32
    %dma_start3A_4 = tpu.memref_slice %arg2[%dma_start3A, %dma_start3A_3] : memref<5632x1024xf32, #tpu.memory_space<hbm>> -> memref<5632x1024xf32, #tpu.memory_space<hbm>>
    tpu.enqueue_indirect_dma source(%dma_start3A_4 : memref<5632x1024xf32, #tpu.memory_space<hbm>>) target(%arg6 : memref<64x1024xf32, #tpu.memory_space<vmem>>) offsets(%arg5 : memref<64xi32, #tpu.memory_space<vmem>>) semaphore(%arg7 : memref<!tpu.dma_semaphore, #tpu.memory_space<semaphore_mem>>)
    %dma_wait3A = arith.constant 0 : i32
    %dma_wait3A_5 = arith.constant 0 : i32
    %dma_wait3A_6 = tpu.memref_slice %arg2[%dma_wait3A, %dma_wait3A_5] : memref<5632x1024xf32, #tpu.memory_space<hbm>> -> memref<5632x1024xf32, #tpu.memory_space<hbm>>
    tpu.wait_indirect_dma semaphore(%arg7 : memref<!tpu.dma_semaphore, #tpu.memory_space<semaphore_mem>>) src(%dma_wait3A_6 : memref<5632x1024xf32, #tpu.memory_space<hbm>>) dst(%arg6 : memref<64x1024xf32, #tpu.memory_space<vmem>>)
    "tpu.region"() ({
      %run_scoped3A = tpu.sem_alloc : memref<!tpu.dma_semaphore, #tpu.memory_space<semaphore_mem>>
      %dma_start3A_7 = arith.constant 0 : i32
      %dma_start3A_8 = tpu.memref_slice %arg4[%mul3A_2, %dma_start3A_7] : memref<2048x1024xf32, #tpu.memory_space<hbm>> -> memref<64x1024xf32, #tpu.memory_space<hbm>>
      %dma_start3A_9 = arith.constant 0 : i32
      %dma_start3A_10 = tpu.memref_slice %arg4[%mul3A_2, %dma_start3A_9] : memref<2048x1024xf32, #tpu.memory_space<hbm>> -> memref<64x1024xf32, #tpu.memory_space<hbm>>
      tpu.enqueue_dma source(%arg6 : memref<64x1024xf32, #tpu.memory_space<vmem>>) target(%dma_start3A_10 : memref<64x1024xf32, #tpu.memory_space<hbm>>) target_semaphore(%run_scoped3A : memref<!tpu.dma_semaphore, #tpu.memory_space<semaphore_mem>>)
      %dma_wait3A_11 = arith.constant 0 : i32
      %dma_wait3A_12 = tpu.memref_slice %arg4[%mul3A_2, %dma_wait3A_11] : memref<2048x1024xf32, #tpu.memory_space<hbm>> -> memref<64x1024xf32, #tpu.memory_space<hbm>>
      %dma_wait3A_13 = arith.constant 0 : i32
      %dma_wait3A_14 = tpu.memref_slice %arg4[%mul3A_2, %dma_wait3A_13] : memref<2048x1024xf32, #tpu.memory_space<hbm>> -> memref<64x1024xf32, #tpu.memory_space<hbm>>
      tpu.wait_dma2 semaphore(%run_scoped3A : memref<!tpu.dma_semaphore, #tpu.memory_space<semaphore_mem>>) src(%arg6 : memref<64x1024xf32, #tpu.memory_space<vmem>>) dst(%dma_wait3A_14 : memref<64x1024xf32, #tpu.memory_space<hbm>>)
      tpu.yield
    }) : () -> ()
    return
  }
}

#map = affine_map<(d0, d1) -> (0)>
#map1 = affine_map<(d0, d1) -> (0, 0)>
module attributes {stable_mosaic.version = 14 : i64} {
  func.func @_route_body(%arg0: i32, %arg1: i32, %arg2: memref<2048xi32, #tpu.memory_space<hbm>>, %arg3: memref<2048x1024xf32, #tpu.memory_space<hbm>>, %arg4: memref<2048xi32, #tpu.memory_space<hbm>>, %arg5: memref<32xi32, #tpu.memory_space<hbm>>, %arg6: memref<5632x1024xf32, #tpu.memory_space<hbm>>, %arg7: memref<2048xi32, #tpu.memory_space<vmem>>, %arg8: memref<2048xi32, #tpu.memory_space<vmem>>, %arg9: memref<2048xi32, #tpu.memory_space<vmem>>, %arg10: memref<64xi32, #tpu.memory_space<vmem>>, %arg11: memref<16xi32, #tpu.memory_space<vmem>>, %arg12: memref<32xi32, #tpu.memory_space<vmem>>, %arg13: memref<64x1024xf32, #tpu.memory_space<vmem>>, %arg14: memref<!tpu.dma_semaphore, #tpu.memory_space<semaphore_mem>>) attributes {dimension_semantics = [#tpu.dimension_semantics<core_parallel>, #tpu.dimension_semantics<subcore_parallel>], iteration_bounds = array<i64: 2, 16>, scalar_prefetch = 0 : i64, scratch_operands = 8 : i64, tpu.core_type = #tpu.core_type<sc_vector_subcore>, window_params = [{transform_indices = #map}, {transform_indices = #map1}, {transform_indices = #map}, {transform_indices = #map}, {transform_indices = #map1}]} {
    %mul3A = arith.constant 2 : i32
    %mul3A_0 = arith.muli %arg1, %mul3A : i32
    %add3A = arith.addi %mul3A_0, %arg0 : i32
    %iota3A = tpu.iota {dimensions = array<i32: 0>} : vector<16xi32>
    "tpu.trace_start"() <{level = 10 : i32, message = "eidx_copy"}> : () -> ()
    "tpu.region"() ({
      %run_scoped3A = tpu.sem_alloc : memref<!tpu.dma_semaphore, #tpu.memory_space<semaphore_mem>>
      tpu.enqueue_dma source(%arg2 : memref<2048xi32, #tpu.memory_space<hbm>>) target(%arg7 : memref<2048xi32, #tpu.memory_space<vmem>>) target_semaphore(%run_scoped3A : memref<!tpu.dma_semaphore, #tpu.memory_space<semaphore_mem>>)
      tpu.wait_dma2 semaphore(%run_scoped3A : memref<!tpu.dma_semaphore, #tpu.memory_space<semaphore_mem>>) src(%arg2 : memref<2048xi32, #tpu.memory_space<hbm>>) dst(%arg7 : memref<2048xi32, #tpu.memory_space<vmem>>)
      tpu.yield
    }) : () -> ()
    "tpu.trace_stop"() : () -> ()
    %mul3A_1 = arith.constant 64 : i32
    %mul3A_2 = arith.muli %add3A, %mul3A_1 : i32
    %dma_start3A = arith.constant 0 : i32
    %dma_start3A_3 = tpu.memref_slice %arg3[%mul3A_2, %dma_start3A] : memref<2048x1024xf32, #tpu.memory_space<hbm>> -> memref<64x1024xf32, #tpu.memory_space<hbm>>
    %dma_start3A_4 = arith.constant 0 : i32
    %dma_start3A_5 = tpu.memref_slice %arg3[%mul3A_2, %dma_start3A_4] : memref<2048x1024xf32, #tpu.memory_space<hbm>> -> memref<64x1024xf32, #tpu.memory_space<hbm>>
    tpu.enqueue_dma source(%dma_start3A_5 : memref<64x1024xf32, #tpu.memory_space<hbm>>) target(%arg13 : memref<64x1024xf32, #tpu.memory_space<vmem>>) target_semaphore(%arg14 : memref<!tpu.dma_semaphore, #tpu.memory_space<semaphore_mem>>)
    %broadcast_in_dim3A = arith.constant 0 : i32
    %broadcast_in_dim3A_6 = vector.broadcast %broadcast_in_dim3A : i32 to vector<16xi32>
    %swap3A = arith.constant 0 : index
    %swap3A_7 = tpu.vector_load %arg11[%swap3A] {strides = array<i32>} : memref<16xi32, #tpu.memory_space<vmem>>, vector<16xi32>,
    tpu.vector_store %arg11[%swap3A], %broadcast_in_dim3A_6 {strides = array<i32>} : memref<16xi32, #tpu.memory_space<vmem>>, vector<16xi32>,
    "tpu.trace_start"() <{level = 10 : i32, message = "pass1"}> : () -> ()
    %scan3A = arith.constant 0 : i32
    %scan3A_8 = arith.constant 0 : i32
    %scan3A_9 = arith.constant 128 : i32
    %scan3A_10 = arith.addi %scan3A_8, %scan3A_9 : i32
    %scan3A_11 = arith.constant 1 : i32
    scf.for %scan3A_97 = %scan3A_8 to %scan3A_10 step %scan3A_11  : i32 {
      %mul3A_98 = arith.constant 16 : i32
      %mul3A_99 = arith.muli %scan3A_97, %mul3A_98 : i32
      %get3A_100 = arith.index_cast %mul3A_99 : i32 to index
      %get3A_101 = tpu.vector_load %arg7[%get3A_100] {strides = array<i32>} : memref<2048xi32, #tpu.memory_space<vmem>>, vector<16xi32>,
      %broadcast_in_dim3A_102 = arith.constant true
      %broadcast_in_dim3A_103 = vector.broadcast %broadcast_in_dim3A_102 : i1 to vector<16xi1>
      %unique3A, %unique3A_104 = tpu.scan_count mask(%broadcast_in_dim3A_103 : vector<16xi1>) value(%get3A_101 : vector<16xi32>) : vector<16xi1>, vector<16xi32>
      %gather3A = tpu.vector_load_idx %arg11[%get3A_101] : memref<16xi32, #tpu.memory_space<vmem>>[vector<16xi32>], vector<16xi32>,
      %add3A_105 = arith.addi %gather3A, %unique3A_104 : vector<16xi32>
      %sub3A_106 = arith.constant 1 : i32
      %sub3A_107 = vector.broadcast %sub3A_106 : i32 to vector<16xi32>
      %sub3A_108 = arith.subi %add3A_105, %sub3A_107 : vector<16xi32>
      %mul3A_109 = arith.constant 16 : i32
      %mul3A_110 = arith.muli %scan3A_97, %mul3A_109 : i32
      %swap3A_111 = arith.index_cast %mul3A_110 : i32 to index
      %swap3A_112 = tpu.vector_load %arg8[%swap3A_111] {strides = array<i32>} : memref<2048xi32, #tpu.memory_space<vmem>>, vector<16xi32>,
      tpu.vector_store %arg8[%swap3A_111], %sub3A_108 {strides = array<i32>} : memref<2048xi32, #tpu.memory_space<vmem>>, vector<16xi32>,
      %add3A_113 = arith.addi %gather3A, %unique3A_104 : vector<16xi32>
      tpu.vector_store_idx %arg11[%get3A_101], %add3A_113 masked %unique3A : memref<16xi32, #tpu.memory_space<vmem>>[vector<16xi32>], vector<16xi32>, vector<16xi1>
    }
    %scan3A_12 = arith.constant 128 : i32
    "tpu.trace_stop"() : () -> ()
    %get3A = arith.constant 0 : index
    %get3A_13 = tpu.vector_load %arg11[%get3A] {strides = array<i32>} : memref<16xi32, #tpu.memory_space<vmem>>, vector<16xi32>,
    %add3A_14 = arith.constant 511 : i32
    %add3A_15 = vector.broadcast %add3A_14 : i32 to vector<16xi32>
    %add3A_16 = arith.addi %get3A_13, %add3A_15 : vector<16xi32>
    %jit3A = arith.constant 512 : i32
    %div3A = vector.broadcast %jit3A : i32 to vector<16xi32>
    %div3A_17 = arith.divsi %add3A_16, %div3A : vector<16xi32>
    %sign3A = arith.constant 0 : i32
    %sign3A_18 = vector.broadcast %sign3A : i32 to vector<16xi32>
    %sign3A_19 = arith.cmpi sgt, %add3A_16, %sign3A_18 : vector<16xi32>
    %sign3A_20 = arith.extui %sign3A_19 : vector<16xi1> to vector<16xi32>
    %sign3A_21 = arith.constant 0 : i32
    %sign3A_22 = vector.broadcast %sign3A_21 : i32 to vector<16xi32>
    %sign3A_23 = arith.cmpi slt, %add3A_16, %sign3A_22 : vector<16xi32>
    %sign3A_24 = arith.extui %sign3A_23 : vector<16xi1> to vector<16xi32>
    %sign3A_25 = arith.subi %sign3A_20, %sign3A_24 : vector<16xi32>
    %sign3A_26 = arith.constant 0 : i32
    %sign3A_27 = arith.cmpi sgt, %jit3A, %sign3A_26 : i32
    %sign3A_28 = arith.extui %sign3A_27 : i1 to i32
    %sign3A_29 = arith.constant 0 : i32
    %sign3A_30 = arith.cmpi slt, %jit3A, %sign3A_29 : i32
    %sign3A_31 = arith.extui %sign3A_30 : i1 to i32
    %sign3A_32 = arith.subi %sign3A_28, %sign3A_31 : i32
    %ne3A = vector.broadcast %sign3A_32 : i32 to vector<16xi32>
    %ne3A_33 = arith.cmpi ne, %sign3A_25, %ne3A : vector<16xi32>
    %rem3A = vector.broadcast %jit3A : i32 to vector<16xi32>
    %rem3A_34 = arith.remsi %add3A_16, %rem3A : vector<16xi32>
    %ne3A_35 = arith.constant 0 : i32
    %ne3A_36 = vector.broadcast %ne3A_35 : i32 to vector<16xi32>
    %ne3A_37 = arith.cmpi ne, %rem3A_34, %ne3A_36 : vector<16xi32>
    %and3A = arith.andi %ne3A_33, %ne3A_37 : vector<16xi1>
    %sub3A = arith.constant 1 : i32
    %sub3A_38 = vector.broadcast %sub3A : i32 to vector<16xi32>
    %sub3A_39 = arith.subi %div3A_17, %sub3A_38 : vector<16xi32>
    %select_n3A = arith.select %and3A, %sub3A_39, %div3A_17 : vector<16xi1>, vector<16xi32>
    %broadcast_in_dim3A_40 = arith.constant true
    %broadcast_in_dim3A_41 = vector.broadcast %broadcast_in_dim3A_40 : i1 to vector<16xi1>
    %masked_cumsum3A = tpu.scan <sum>, %select_n3A masked %broadcast_in_dim3A_41 : vector<16xi32>, vector<16xi1> -> vector<16xi32>
    %sub3A_42 = arith.subi %masked_cumsum3A, %select_n3A : vector<16xi32>
    %mul3A_43 = arith.constant 512 : i32
    %mul3A_44 = vector.broadcast %mul3A_43 : i32 to vector<16xi32>
    %mul3A_45 = arith.muli %sub3A_42, %mul3A_44 : vector<16xi32>
    %swap3A_46 = arith.constant 0 : index
    %swap3A_47 = tpu.vector_load %arg11[%swap3A_46] {strides = array<i32>} : memref<16xi32, #tpu.memory_space<vmem>>, vector<16xi32>,
    tpu.vector_store %arg11[%swap3A_46], %mul3A_45 {strides = array<i32>} : memref<16xi32, #tpu.memory_space<vmem>>, vector<16xi32>,
    %broadcast_in_dim3A_48 = arith.constant 0 : i32
    %broadcast_in_dim3A_49 = vector.broadcast %broadcast_in_dim3A_48 : i32 to vector<16xi32>
    %swap3A_50 = arith.constant 0 : index
    %swap3A_51 = tpu.vector_load %arg12[%swap3A_50] {strides = array<i32>} : memref<32xi32, #tpu.memory_space<vmem>>, vector<16xi32>,
    tpu.vector_store %arg12[%swap3A_50], %broadcast_in_dim3A_49 {strides = array<i32>} : memref<32xi32, #tpu.memory_space<vmem>>, vector<16xi32>,
    %broadcast_in_dim3A_52 = arith.constant 0 : i32
    %broadcast_in_dim3A_53 = vector.broadcast %broadcast_in_dim3A_52 : i32 to vector<16xi32>
    %swap3A_54 = arith.constant 16 : index
    %swap3A_55 = tpu.vector_load %arg12[%swap3A_54] {strides = array<i32>} : memref<32xi32, #tpu.memory_space<vmem>>, vector<16xi32>,
    tpu.vector_store %arg12[%swap3A_54], %broadcast_in_dim3A_53 {strides = array<i32>} : memref<32xi32, #tpu.memory_space<vmem>>, vector<16xi32>,
    "tpu.trace_start"() <{level = 10 : i32, message = "pass2"}> : () -> ()
    %scan3A_56 = arith.constant 0 : i32
    %scan3A_57 = arith.constant 0 : i32
    %scan3A_58 = arith.constant 128 : i32
    %scan3A_59 = arith.addi %scan3A_57, %scan3A_58 : i32
    %scan3A_60 = arith.constant 1 : i32
    scf.for %scan3A_97 = %scan3A_57 to %scan3A_59 step %scan3A_60  : i32 {
      %mul3A_98 = arith.constant 16 : i32
      %mul3A_99 = arith.muli %scan3A_97, %mul3A_98 : i32
      %get3A_100 = arith.index_cast %mul3A_99 : i32 to index
      %get3A_101 = tpu.vector_load %arg7[%get3A_100] {strides = array<i32>} : memref<2048xi32, #tpu.memory_space<vmem>>, vector<16xi32>,
      %mul3A_102 = arith.constant 16 : i32
      %mul3A_103 = arith.muli %scan3A_97, %mul3A_102 : i32
      %get3A_104 = arith.index_cast %mul3A_103 : i32 to index
      %get3A_105 = tpu.vector_load %arg8[%get3A_104] {strides = array<i32>} : memref<2048xi32, #tpu.memory_space<vmem>>, vector<16xi32>,
      %gather3A = tpu.vector_load_idx %arg11[%get3A_101] : memref<16xi32, #tpu.memory_space<vmem>>[vector<16xi32>], vector<16xi32>,
      %add3A_106 = arith.addi %get3A_105, %gather3A : vector<16xi32>
      %mul3A_107 = arith.constant 16 : i32
      %mul3A_108 = arith.muli %scan3A_97, %mul3A_107 : i32
      %swap3A_109 = arith.index_cast %mul3A_108 : i32 to index
      %swap3A_110 = tpu.vector_load %arg9[%swap3A_109] {strides = array<i32>} : memref<2048xi32, #tpu.memory_space<vmem>>, vector<16xi32>,
      tpu.vector_store %arg9[%swap3A_109], %add3A_106 {strides = array<i32>} : memref<2048xi32, #tpu.memory_space<vmem>>, vector<16xi32>,
      %jit3A_111 = arith.constant 512 : i32
      %div3A_112 = vector.broadcast %jit3A_111 : i32 to vector<16xi32>
      %div3A_113 = arith.divsi %add3A_106, %div3A_112 : vector<16xi32>
      %sign3A_114 = arith.constant 0 : i32
      %sign3A_115 = vector.broadcast %sign3A_114 : i32 to vector<16xi32>
      %sign3A_116 = arith.cmpi sgt, %add3A_106, %sign3A_115 : vector<16xi32>
      %sign3A_117 = arith.extui %sign3A_116 : vector<16xi1> to vector<16xi32>
      %sign3A_118 = arith.constant 0 : i32
      %sign3A_119 = vector.broadcast %sign3A_118 : i32 to vector<16xi32>
      %sign3A_120 = arith.cmpi slt, %add3A_106, %sign3A_119 : vector<16xi32>
      %sign3A_121 = arith.extui %sign3A_120 : vector<16xi1> to vector<16xi32>
      %sign3A_122 = arith.subi %sign3A_117, %sign3A_121 : vector<16xi32>
      %sign3A_123 = arith.constant 0 : i32
      %sign3A_124 = arith.cmpi sgt, %jit3A_111, %sign3A_123 : i32
      %sign3A_125 = arith.extui %sign3A_124 : i1 to i32
      %sign3A_126 = arith.constant 0 : i32
      %sign3A_127 = arith.cmpi slt, %jit3A_111, %sign3A_126 : i32
      %sign3A_128 = arith.extui %sign3A_127 : i1 to i32
      %sign3A_129 = arith.subi %sign3A_125, %sign3A_128 : i32
      %ne3A_130 = vector.broadcast %sign3A_129 : i32 to vector<16xi32>
      %ne3A_131 = arith.cmpi ne, %sign3A_122, %ne3A_130 : vector<16xi32>
      %rem3A_132 = vector.broadcast %jit3A_111 : i32 to vector<16xi32>
      %rem3A_133 = arith.remsi %add3A_106, %rem3A_132 : vector<16xi32>
      %ne3A_134 = arith.constant 0 : i32
      %ne3A_135 = vector.broadcast %ne3A_134 : i32 to vector<16xi32>
      %ne3A_136 = arith.cmpi ne, %rem3A_133, %ne3A_135 : vector<16xi32>
      %and3A_137 = arith.andi %ne3A_131, %ne3A_136 : vector<16xi1>
      %sub3A_138 = arith.constant 1 : i32
      %sub3A_139 = vector.broadcast %sub3A_138 : i32 to vector<16xi32>
      %sub3A_140 = arith.subi %div3A_113, %sub3A_139 : vector<16xi32>
      %select_n3A_141 = arith.select %and3A_137, %sub3A_140, %div3A_113 : vector<16xi1>, vector<16xi32>
      tpu.vector_store_idx %arg12[%select_n3A_141], %get3A_101 : memref<32xi32, #tpu.memory_space<vmem>>[vector<16xi32>], vector<16xi32>,
    }
    %scan3A_61 = arith.constant 128 : i32
    "tpu.trace_stop"() : () -> ()
    "tpu.region"() ({
      %run_scoped3A = tpu.sem_alloc : memref<!tpu.dma_semaphore, #tpu.memory_space<semaphore_mem>>
      %dma_start3A_97 = tpu.memref_slice %arg9[%mul3A_2] : memref<2048xi32, #tpu.memory_space<vmem>> -> memref<64xi32, #tpu.memory_space<vmem>>
      %dma_start3A_98 = tpu.memref_slice %arg4[%mul3A_2] : memref<2048xi32, #tpu.memory_space<hbm>> -> memref<64xi32, #tpu.memory_space<hbm>>
      %dma_start3A_99 = tpu.memref_slice %arg4[%mul3A_2] : memref<2048xi32, #tpu.memory_space<hbm>> -> memref<64xi32, #tpu.memory_space<hbm>>
      %dma_start3A_100 = tpu.memref_slice %arg9[%mul3A_2] : memref<2048xi32, #tpu.memory_space<vmem>> -> memref<64xi32, #tpu.memory_space<vmem>>
      tpu.enqueue_dma source(%dma_start3A_100 : memref<64xi32, #tpu.memory_space<vmem>>) target(%dma_start3A_99 : memref<64xi32, #tpu.memory_space<hbm>>) target_semaphore(%run_scoped3A : memref<!tpu.dma_semaphore, #tpu.memory_space<semaphore_mem>>)
      %dma_wait3A_101 = tpu.memref_slice %arg9[%mul3A_2] : memref<2048xi32, #tpu.memory_space<vmem>> -> memref<64xi32, #tpu.memory_space<vmem>>
      %dma_wait3A_102 = tpu.memref_slice %arg4[%mul3A_2] : memref<2048xi32, #tpu.memory_space<hbm>> -> memref<64xi32, #tpu.memory_space<hbm>>
      %dma_wait3A_103 = tpu.memref_slice %arg4[%mul3A_2] : memref<2048xi32, #tpu.memory_space<hbm>> -> memref<64xi32, #tpu.memory_space<hbm>>
      %dma_wait3A_104 = tpu.memref_slice %arg9[%mul3A_2] : memref<2048xi32, #tpu.memory_space<vmem>> -> memref<64xi32, #tpu.memory_space<vmem>>
      tpu.wait_dma2 semaphore(%run_scoped3A : memref<!tpu.dma_semaphore, #tpu.memory_space<semaphore_mem>>) src(%dma_wait3A_104 : memref<64xi32, #tpu.memory_space<vmem>>) dst(%dma_wait3A_103 : memref<64xi32, #tpu.memory_space<hbm>>)
      tpu.yield
    }) : () -> ()
    %eq3A = arith.constant 0 : i32
    %eq3A_62 = arith.cmpi eq, %add3A, %eq3A : i32
    %convert_element_type3A = arith.extui %eq3A_62 : i1 to i32
    %cond3A = arith.constant 0 : i32
    %cond3A_63 = arith.cmpi ne, %convert_element_type3A, %cond3A : i32
    scf.if %cond3A_63 {
      %reduce_max3A = arith.constant true
      %reduce_max3A_97 = vector.broadcast %reduce_max3A : i1 to vector<16xi1>
      %reduce_max3A_98 = arith.constant -2147483648 : i32
      %reduce_max3A_99 = vector.broadcast %reduce_max3A_98 : i32 to vector<16xi32>
      %reduce_max3A_100 = arith.xori %masked_cumsum3A, %reduce_max3A_99 : vector<16xi32>
      %reduce_max3A_101 = tpu.scan <max>, %reduce_max3A_100 masked %reduce_max3A_97 : vector<16xi32>, vector<16xi1> -> vector<16xi32>
      %reduce_max3A_102 = arith.xori %reduce_max3A_101, %reduce_max3A_99 : vector<16xi32>
      %reduce_max3A_103 = vector.extract %reduce_max3A_102[15] : i32 from vector<16xi32>
      %broadcast_in_dim3A_104 = vector.broadcast %reduce_max3A_103 : i32 to vector<16xi32>
      %sub3A_105 = arith.constant 1 : i32
      %sub3A_106 = vector.broadcast %sub3A_105 : i32 to vector<16xi32>
      %sub3A_107 = arith.subi %broadcast_in_dim3A_104, %sub3A_106 : vector<16xi32>
      %gather3A = tpu.vector_load_idx %arg12[%sub3A_107] : memref<32xi32, #tpu.memory_space<vmem>>[vector<16xi32>], vector<16xi32>,
      %add3A_108 = arith.constant 0 : i32
      %add3A_109 = vector.broadcast %add3A_108 : i32 to vector<16xi32>
      %add3A_110 = arith.addi %iota3A, %add3A_109 : vector<16xi32>
      %get3A_111 = arith.constant 0 : index
      %get3A_112 = tpu.vector_load %arg12[%get3A_111] {strides = array<i32>} : memref<32xi32, #tpu.memory_space<vmem>>, vector<16xi32>,
      %sub3A_113 = arith.subi %add3A_110, %broadcast_in_dim3A_104 : vector<16xi32>
      %shift_right_arithmetic3A = arith.constant 31 : i32
      %shift_right_arithmetic3A_114 = vector.broadcast %shift_right_arithmetic3A : i32 to vector<16xi32>
      %shift_right_arithmetic3A_115 = arith.shrsi %sub3A_113, %shift_right_arithmetic3A_114 : vector<16xi32>
      %and3A_116 = arith.constant 1 : i32
      %and3A_117 = vector.broadcast %and3A_116 : i32 to vector<16xi32>
      %and3A_118 = arith.andi %shift_right_arithmetic3A_115, %and3A_117 : vector<16xi32>
      %mul3A_119 = arith.muli %and3A_118, %get3A_112 : vector<16xi32>
      %sub3A_120 = arith.constant 1 : i32
      %sub3A_121 = vector.broadcast %sub3A_120 : i32 to vector<16xi32>
      %sub3A_122 = arith.subi %sub3A_121, %and3A_118 : vector<16xi32>
      %mul3A_123 = arith.muli %sub3A_122, %gather3A : vector<16xi32>
      %add3A_124 = arith.addi %mul3A_119, %mul3A_123 : vector<16xi32>
      %eq3A_125 = arith.constant 11 : i32
      %eq3A_126 = vector.broadcast %eq3A_125 : i32 to vector<16xi32>
      %eq3A_127 = arith.cmpi eq, %add3A_110, %eq3A_126 : vector<16xi32>
      %select_n3A_128 = arith.select %eq3A_127, %broadcast_in_dim3A_104, %add3A_124 : vector<16xi1>, vector<16xi32>
      %swap3A_129 = arith.constant 0 : index
      %swap3A_130 = tpu.vector_load %arg12[%swap3A_129] {strides = array<i32>} : memref<32xi32, #tpu.memory_space<vmem>>, vector<16xi32>,
      tpu.vector_store %arg12[%swap3A_129], %select_n3A_128 {strides = array<i32>} : memref<32xi32, #tpu.memory_space<vmem>>, vector<16xi32>,
      %add3A_131 = arith.constant 16 : i32
      %add3A_132 = vector.broadcast %add3A_131 : i32 to vector<16xi32>
      %add3A_133 = arith.addi %iota3A, %add3A_132 : vector<16xi32>
      %get3A_134 = arith.constant 16 : index
      %get3A_135 = tpu.vector_load %arg12[%get3A_134] {strides = array<i32>} : memref<32xi32, #tpu.memory_space<vmem>>, vector<16xi32>,
      %sub3A_136 = arith.subi %add3A_133, %broadcast_in_dim3A_104 : vector<16xi32>
      %shift_right_arithmetic3A_137 = arith.constant 31 : i32
      %shift_right_arithmetic3A_138 = vector.broadcast %shift_right_arithmetic3A_137 : i32 to vector<16xi32>
      %shift_right_arithmetic3A_139 = arith.shrsi %sub3A_136, %shift_right_arithmetic3A_138 : vector<16xi32>
      %and3A_140 = arith.constant 1 : i32
      %and3A_141 = vector.broadcast %and3A_140 : i32 to vector<16xi32>
      %and3A_142 = arith.andi %shift_right_arithmetic3A_139, %and3A_141 : vector<16xi32>
      %mul3A_143 = arith.muli %and3A_142, %get3A_135 : vector<16xi32>
      %sub3A_144 = arith.constant 1 : i32
      %sub3A_145 = vector.broadcast %sub3A_144 : i32 to vector<16xi32>
      %sub3A_146 = arith.subi %sub3A_145, %and3A_142 : vector<16xi32>
      %mul3A_147 = arith.muli %sub3A_146, %gather3A : vector<16xi32>
      %add3A_148 = arith.addi %mul3A_143, %mul3A_147 : vector<16xi32>
      %eq3A_149 = arith.constant 11 : i32
      %eq3A_150 = vector.broadcast %eq3A_149 : i32 to vector<16xi32>
      %eq3A_151 = arith.cmpi eq, %add3A_133, %eq3A_150 : vector<16xi32>
      %select_n3A_152 = arith.select %eq3A_151, %broadcast_in_dim3A_104, %add3A_148 : vector<16xi1>, vector<16xi32>
      %swap3A_153 = arith.constant 16 : index
      %swap3A_154 = tpu.vector_load %arg12[%swap3A_153] {strides = array<i32>} : memref<32xi32, #tpu.memory_space<vmem>>, vector<16xi32>,
      tpu.vector_store %arg12[%swap3A_153], %select_n3A_152 {strides = array<i32>} : memref<32xi32, #tpu.memory_space<vmem>>, vector<16xi32>,
      "tpu.region"() ({
        %run_scoped3A = tpu.sem_alloc : memref<!tpu.dma_semaphore, #tpu.memory_space<semaphore_mem>>
        tpu.enqueue_dma source(%arg12 : memref<32xi32, #tpu.memory_space<vmem>>) target(%arg5 : memref<32xi32, #tpu.memory_space<hbm>>) target_semaphore(%run_scoped3A : memref<!tpu.dma_semaphore, #tpu.memory_space<semaphore_mem>>)
        tpu.wait_dma2 semaphore(%run_scoped3A : memref<!tpu.dma_semaphore, #tpu.memory_space<semaphore_mem>>) src(%arg12 : memref<32xi32, #tpu.memory_space<vmem>>) dst(%arg5 : memref<32xi32, #tpu.memory_space<hbm>>)
        tpu.yield
      }) : () -> ()
    } else {
    }
    "tpu.trace_start"() <{level = 10 : i32, message = "rowscatter"}> : () -> ()
    %add3A_64 = arith.constant 0 : i32
    %add3A_65 = arith.addi %mul3A_2, %add3A_64 : i32
    %get3A_66 = arith.index_cast %add3A_65 : i32 to index
    %get3A_67 = tpu.vector_load %arg9[%get3A_66] {strides = array<i32>} : memref<2048xi32, #tpu.memory_space<vmem>>, vector<16xi32>,
    %swap3A_68 = arith.constant 0 : index
    %swap3A_69 = tpu.vector_load %arg10[%swap3A_68] {strides = array<i32>} : memref<64xi32, #tpu.memory_space<vmem>>, vector<16xi32>,
    tpu.vector_store %arg10[%swap3A_68], %get3A_67 {strides = array<i32>} : memref<64xi32, #tpu.memory_space<vmem>>, vector<16xi32>,
    %add3A_70 = arith.constant 16 : i32
    %add3A_71 = arith.addi %mul3A_2, %add3A_70 : i32
    %get3A_72 = arith.index_cast %add3A_71 : i32 to index
    %get3A_73 = tpu.vector_load %arg9[%get3A_72] {strides = array<i32>} : memref<2048xi32, #tpu.memory_space<vmem>>, vector<16xi32>,
    %swap3A_74 = arith.constant 16 : index
    %swap3A_75 = tpu.vector_load %arg10[%swap3A_74] {strides = array<i32>} : memref<64xi32, #tpu.memory_space<vmem>>, vector<16xi32>,
    tpu.vector_store %arg10[%swap3A_74], %get3A_73 {strides = array<i32>} : memref<64xi32, #tpu.memory_space<vmem>>, vector<16xi32>,
    %add3A_76 = arith.constant 32 : i32
    %add3A_77 = arith.addi %mul3A_2, %add3A_76 : i32
    %get3A_78 = arith.index_cast %add3A_77 : i32 to index
    %get3A_79 = tpu.vector_load %arg9[%get3A_78] {strides = array<i32>} : memref<2048xi32, #tpu.memory_space<vmem>>, vector<16xi32>,
    %swap3A_80 = arith.constant 32 : index
    %swap3A_81 = tpu.vector_load %arg10[%swap3A_80] {strides = array<i32>} : memref<64xi32, #tpu.memory_space<vmem>>, vector<16xi32>,
    tpu.vector_store %arg10[%swap3A_80], %get3A_79 {strides = array<i32>} : memref<64xi32, #tpu.memory_space<vmem>>, vector<16xi32>,
    %add3A_82 = arith.constant 48 : i32
    %add3A_83 = arith.addi %mul3A_2, %add3A_82 : i32
    %get3A_84 = arith.index_cast %add3A_83 : i32 to index
    %get3A_85 = tpu.vector_load %arg9[%get3A_84] {strides = array<i32>} : memref<2048xi32, #tpu.memory_space<vmem>>, vector<16xi32>,
    %swap3A_86 = arith.constant 48 : index
    %swap3A_87 = tpu.vector_load %arg10[%swap3A_86] {strides = array<i32>} : memref<64xi32, #tpu.memory_space<vmem>>, vector<16xi32>,
    tpu.vector_store %arg10[%swap3A_86], %get3A_85 {strides = array<i32>} : memref<64xi32, #tpu.memory_space<vmem>>, vector<16xi32>,
    %dma_wait3A = arith.constant 0 : i32
    %dma_wait3A_88 = tpu.memref_slice %arg3[%mul3A_2, %dma_wait3A] : memref<2048x1024xf32, #tpu.memory_space<hbm>> -> memref<64x1024xf32, #tpu.memory_space<hbm>>
    %dma_wait3A_89 = arith.constant 0 : i32
    %dma_wait3A_90 = tpu.memref_slice %arg3[%mul3A_2, %dma_wait3A_89] : memref<2048x1024xf32, #tpu.memory_space<hbm>> -> memref<64x1024xf32, #tpu.memory_space<hbm>>
    tpu.wait_dma2 semaphore(%arg14 : memref<!tpu.dma_semaphore, #tpu.memory_space<semaphore_mem>>) src(%dma_wait3A_90 : memref<64x1024xf32, #tpu.memory_space<hbm>>) dst(%arg13 : memref<64x1024xf32, #tpu.memory_space<vmem>>)
    %dma_start3A_91 = arith.constant 0 : i32
    %dma_start3A_92 = arith.constant 0 : i32
    %dma_start3A_93 = tpu.memref_slice %arg6[%dma_start3A_91, %dma_start3A_92] : memref<5632x1024xf32, #tpu.memory_space<hbm>> -> memref<5632x1024xf32, #tpu.memory_space<hbm>>
    tpu.enqueue_indirect_dma source(%arg13 : memref<64x1024xf32, #tpu.memory_space<vmem>>) target(%dma_start3A_93 : memref<5632x1024xf32, #tpu.memory_space<hbm>>) offsets(%arg10 : memref<64xi32, #tpu.memory_space<vmem>>) semaphore(%arg14 : memref<!tpu.dma_semaphore, #tpu.memory_space<semaphore_mem>>)
    %dma_wait3A_94 = arith.constant 0 : i32
    %dma_wait3A_95 = arith.constant 0 : i32
    %dma_wait3A_96 = tpu.memref_slice %arg6[%dma_wait3A_94, %dma_wait3A_95] : memref<5632x1024xf32, #tpu.memory_space<hbm>> -> memref<5632x1024xf32, #tpu.memory_space<hbm>>
    tpu.wait_indirect_dma semaphore(%arg14 : memref<!tpu.dma_semaphore, #tpu.memory_space<semaphore_mem>>) src(%arg13 : memref<64x1024xf32, #tpu.memory_space<vmem>>) dst(%dma_wait3A_96 : memref<5632x1024xf32, #tpu.memory_space<hbm>>)
    "tpu.trace_stop"() : () -> ()
    return
  }
}

module attributes {stable_mosaic.version = 14 : i64} {
  func.func @_gate_body(%arg0: memref<2048x1024xf32, #tpu.memory_space<vmem>>, %arg1: memref<8x1024xf32, #tpu.memory_space<vmem>>, %arg2: memref<1x8xf32, #tpu.memory_space<vmem>>, %arg3: memref<2048x1xi32, #tpu.memory_space<vmem>>) attributes {dimension_semantics = [], scalar_prefetch = 0 : i64, scratch_operands = 0 : i64, tpu.core_type = #tpu.core_type<tc>} {
    %get3A = arith.constant 0 : index
    %get3A_0 = arith.constant 0 : index
    %get3A_1 = vector.load %arg0[%get3A, %get3A_0] : memref<2048x1024xf32, #tpu.memory_space<vmem>>, vector<2048x1024xf32>
    %get3A_2 = arith.constant 0 : index
    %get3A_3 = arith.constant 0 : index
    %get3A_4 = vector.load %arg1[%get3A_2, %get3A_3] : memref<8x1024xf32, #tpu.memory_space<vmem>>, vector<8x1024xf32>
    %dot_general3A = arith.constant dense<0.000000e+00> : vector<2048x8xf32>
    %dot_general3A_5 = tpu.matmul %get3A_1, %get3A_4, %dot_general3A {dimension_numbers = #tpu.dot_dimension_numbers<[1], [1], [0], [0], [0, 0, 1, 0], [], []>, transpose_lhs_hint = false} : vector<2048x1024xf32>, vector<8x1024xf32>, vector<2048x8xf32> -> vector<2048x8xf32>
    %get3A_6 = arith.constant 0 : index
    %get3A_7 = arith.constant 0 : index
    %get3A_8 = vector.load %arg2[%get3A_6, %get3A_7] : memref<1x8xf32, #tpu.memory_space<vmem>>, vector<1x8xf32>
    %add3A = vector.broadcast %get3A_8 : vector<1x8xf32> to vector<2048x8xf32>
    %add3A_9 = arith.addf %dot_general3A_5, %add3A : vector<2048x8xf32>
    %argmax3A = tpu.reduce_index %add3A_9 {axis = 1 : i32, kind = #tpu.reduction_kind<arg_max>} : vector<2048x8xf32> -> vector<2048xi32>
    %broadcast_in_dim3A = vector.shape_cast %argmax3A : vector<2048xi32> to vector<2048x1xi32>
    %swap3A = arith.constant 0 : index
    %swap3A_10 = arith.constant 0 : index
    %swap3A_11 = vector.load %arg3[%swap3A, %swap3A_10] : memref<2048x1xi32, #tpu.memory_space<vmem>>, vector<2048x1xi32>
    tpu.vector_store %arg3[%swap3A, %swap3A_10], %broadcast_in_dim3A {strides = array<i32>} : memref<2048x1xi32, #tpu.memory_space<vmem>>, vector<2048x1xi32>,
    return
  }
}

module attributes {stable_mosaic.version = 14 : i64} {
  func.func @_mlp_body(%arg0: i32, %arg1: memref<32xi32, #tpu.memory_space<smem>>, %arg2: memref<512x1024xf32, #tpu.memory_space<vmem>>, %arg3: memref<1x2048x1024xf32, #tpu.memory_space<vmem>>, %arg4: memref<1x1x2048xf32, #tpu.memory_space<vmem>>, %arg5: memref<1x1024x2048xf32, #tpu.memory_space<vmem>>, %arg6: memref<1x1x1024xf32, #tpu.memory_space<vmem>>, %arg7: memref<512x1024xf32, #tpu.memory_space<vmem>>) attributes {dimension_semantics = [#tpu.dimension_semantics<arbitrary>], iteration_bounds = array<i64: 11>, scalar_prefetch = 1 : i64, scratch_operands = 0 : i64, tpu.core_type = #tpu.core_type<tc>, window_params = [{transform_indices = @transform_0, window_bounds = array<i64: 512, 1024>}, {transform_indices = @transform_1, window_bounds = array<i64: 1, 2048, 1024>}, {transform_indices = @transform_2, window_bounds = array<i64: 1, 1, 2048>}, {transform_indices = @transform_3, window_bounds = array<i64: 1, 1024, 2048>}, {transform_indices = @transform_4, window_bounds = array<i64: 1, 1, 1024>}, {transform_indices = @transform_5, window_bounds = array<i64: 512, 1024>}]} {
    %get3A = arith.constant 11 : index
    %get3A_0 = memref.load %arg1[%get3A] : memref<32xi32, #tpu.memory_space<smem>>
    %lt3A = arith.cmpi slt, %arg0, %get3A_0 : i32
    %convert_element_type3A = arith.extui %lt3A : i1 to i32
    %cond3A = arith.constant 0 : i32
    %cond3A_1 = arith.cmpi ne, %convert_element_type3A, %cond3A : i32
    scf.if %cond3A_1 {
      %get3A_2 = arith.constant 0 : index
      %get3A_3 = arith.constant 0 : index
      %get3A_4 = vector.load %arg2[%get3A_2, %get3A_3] : memref<512x1024xf32, #tpu.memory_space<vmem>>, vector<512x1024xf32>
      %get3A_5 = arith.constant 0 : index
      %get3A_6 = arith.constant 0 : index
      %get3A_7 = arith.constant 0 : index
      %get3A_8 = vector.load %arg3[%get3A_5, %get3A_6, %get3A_7] : memref<1x2048x1024xf32, #tpu.memory_space<vmem>>, vector<1x2048x1024xf32>
      %get3A_9 = vector.shape_cast %get3A_8 : vector<1x2048x1024xf32> to vector<2048x1024xf32>
      %dot_general3A = arith.constant dense<0.000000e+00> : vector<512x2048xf32>
      %dot_general3A_10 = tpu.matmul %get3A_4, %get3A_9, %dot_general3A {dimension_numbers = #tpu.dot_dimension_numbers<[1], [1], [0], [0], [0, 0, 1, 0], [], []>, transpose_lhs_hint = false} : vector<512x1024xf32>, vector<2048x1024xf32>, vector<512x2048xf32> -> vector<512x2048xf32>
      %get3A_11 = arith.constant 0 : index
      %get3A_12 = arith.constant 0 : index
      %get3A_13 = arith.constant 0 : index
      %get3A_14 = vector.load %arg4[%get3A_11, %get3A_12, %get3A_13] : memref<1x1x2048xf32, #tpu.memory_space<vmem>>, vector<1x1x2048xf32>
      %get3A_15 = vector.shape_cast %get3A_14 : vector<1x1x2048xf32> to vector<2048xf32>
      %broadcast_in_dim3A = vector.shape_cast %get3A_15 : vector<2048xf32> to vector<1x2048xf32>
      %add3A = vector.broadcast %broadcast_in_dim3A : vector<1x2048xf32> to vector<512x2048xf32>
      %add3A_16 = arith.addf %dot_general3A_10, %add3A : vector<512x2048xf32>
      %max3A = arith.constant 0.000000e+00 : f32
      %max3A_17 = vector.broadcast %max3A : f32 to vector<512x2048xf32>
      %max3A_18 = arith.maximumf %add3A_16, %max3A_17 : vector<512x2048xf32>
      %get3A_19 = arith.constant 0 : index
      %get3A_20 = arith.constant 0 : index
      %get3A_21 = arith.constant 0 : index
      %get3A_22 = vector.load %arg5[%get3A_19, %get3A_20, %get3A_21] : memref<1x1024x2048xf32, #tpu.memory_space<vmem>>, vector<1x1024x2048xf32>
      %get3A_23 = vector.shape_cast %get3A_22 : vector<1x1024x2048xf32> to vector<1024x2048xf32>
      %dot_general3A_24 = arith.constant dense<0.000000e+00> : vector<512x1024xf32>
      %dot_general3A_25 = tpu.matmul %max3A_18, %get3A_23, %dot_general3A_24 {dimension_numbers = #tpu.dot_dimension_numbers<[1], [1], [0], [0], [0, 0, 1, 0], [], []>, transpose_lhs_hint = false} : vector<512x2048xf32>, vector<1024x2048xf32>, vector<512x1024xf32> -> vector<512x1024xf32>
      %get3A_26 = arith.constant 0 : index
      %get3A_27 = arith.constant 0 : index
      %get3A_28 = arith.constant 0 : index
      %get3A_29 = vector.load %arg6[%get3A_26, %get3A_27, %get3A_28] : memref<1x1x1024xf32, #tpu.memory_space<vmem>>, vector<1x1x1024xf32>
      %get3A_30 = vector.shape_cast %get3A_29 : vector<1x1x1024xf32> to vector<1024xf32>
      %broadcast_in_dim3A_31 = vector.shape_cast %get3A_30 : vector<1024xf32> to vector<1x1024xf32>
      %add3A_32 = vector.broadcast %broadcast_in_dim3A_31 : vector<1x1024xf32> to vector<512x1024xf32>
      %add3A_33 = arith.addf %dot_general3A_25, %add3A_32 : vector<512x1024xf32>
      %swap3A = arith.constant 0 : index
      %swap3A_34 = arith.constant 0 : index
      %swap3A_35 = vector.load %arg7[%swap3A, %swap3A_34] : memref<512x1024xf32, #tpu.memory_space<vmem>>, vector<512x1024xf32>
      tpu.vector_store %arg7[%swap3A, %swap3A_34], %add3A_33 {strides = array<i32>} : memref<512x1024xf32, #tpu.memory_space<vmem>>, vector<512x1024xf32>,
    } else {
    }
    return
  }
  func.func @transform_0(%arg0: i32, %arg1: memref<32xi32, #tpu.memory_space<smem>>) -> (i32, i32) {
    %c0_i32 = arith.constant 0 : i32
    %c0_i32_0 = arith.constant 0 : i32
    return %arg0, %c0_i32 : i32, i32
  }
  func.func @transform_1(%arg0: i32, %arg1: memref<32xi32, #tpu.memory_space<smem>>) -> (i32, i32, i32) {
    %get3A = arith.index_cast %arg0 : i32 to index
    %get3A_0 = memref.load %arg1[%get3A] : memref<32xi32, #tpu.memory_space<smem>>
    %c0_i32 = arith.constant 0 : i32
    %c0_i32_1 = arith.constant 0 : i32
    %c0_i32_2 = arith.constant 0 : i32
    return %get3A_0, %c0_i32, %c0_i32_1 : i32, i32, i32
  }
  func.func @transform_2(%arg0: i32, %arg1: memref<32xi32, #tpu.memory_space<smem>>) -> (i32, i32, i32) {
    %get3A = arith.index_cast %arg0 : i32 to index
    %get3A_0 = memref.load %arg1[%get3A] : memref<32xi32, #tpu.memory_space<smem>>
    %c0_i32 = arith.constant 0 : i32
    %c0_i32_1 = arith.constant 0 : i32
    %c0_i32_2 = arith.constant 0 : i32
    return %get3A_0, %c0_i32, %c0_i32_1 : i32, i32, i32
  }
  func.func @transform_3(%arg0: i32, %arg1: memref<32xi32, #tpu.memory_space<smem>>) -> (i32, i32, i32) {
    %get3A = arith.index_cast %arg0 : i32 to index
    %get3A_0 = memref.load %arg1[%get3A] : memref<32xi32, #tpu.memory_space<smem>>
    %c0_i32 = arith.constant 0 : i32
    %c0_i32_1 = arith.constant 0 : i32
    %c0_i32_2 = arith.constant 0 : i32
    return %get3A_0, %c0_i32, %c0_i32_1 : i32, i32, i32
  }
  func.func @transform_4(%arg0: i32, %arg1: memref<32xi32, #tpu.memory_space<smem>>) -> (i32, i32, i32) {
    %get3A = arith.index_cast %arg0 : i32 to index
    %get3A_0 = memref.load %arg1[%get3A] : memref<32xi32, #tpu.memory_space<smem>>
    %c0_i32 = arith.constant 0 : i32
    %c0_i32_1 = arith.constant 0 : i32
    %c0_i32_2 = arith.constant 0 : i32
    return %get3A_0, %c0_i32, %c0_i32_1 : i32, i32, i32
  }
  func.func @transform_5(%arg0: i32, %arg1: memref<32xi32, #tpu.memory_space<smem>>) -> (i32, i32) {
    %c0_i32 = arith.constant 0 : i32
    %c0_i32_0 = arith.constant 0 : i32
    return %arg0, %c0_i32 : i32, i32
  }
}

</mosaic_0001>

<sc_bundles>
// kernel: kernel.6.cloned.1.call-start
scs
__scs_entry_jumppad:
0x0: {  	(pc) =	sbr.rel $0x88, $3  }
0x1: {  	(tag) =	ssettag $0x0;
	lr =	simm.s32 $0x1  }
0x2: {  	[smem:$0x3F9A] =	sst lr;
	_ =	strace $0xD0000000  }
0x3: {  	_ = 	snop  }
0x4: {  	_ = 	snop  }
0x5: {  	_ = 	snop  }
0x6: {  	_ = 	snop  }
0x7: {  	_ = 	snop  }
__scs_overlays_trampoline_lowered:
0x8: {  	[smem:$0x3FA9] =	sst s0  }
0x9: {  	[smem:$0x3FAA] =	sst s1  }
0xa: {  	[smem:$0x3FAB] =	sst s2  }
0xb: {  	[smem:$0x3FAC] =	sst s3  }
0xc: {  	[smem:$0x3FAD] =	sst s4  }
0xd: {  	[smem:$0x3FAE] =	sst s5  }
0xe: {  	[smem:$0x3FAF] =	sst s6  }
0xf: {  	[smem:$0x3FB0] =	sst s7  }
0x10: {  	[smem:$0x3FB1] =	sst s8  }
0x11: {  	[smem:$0x3FB2] =	sst s9;
	s0 =	simm.s32 @!p0 $0x0  }
0x12: {  	s1 =	sld [smem:$0x3F98];
	s0 =	simm.s32 @p0 $0x1  }
0x13: {  	[smem:$0x3FB3] =	sst s0;
	s0 =	simm.s32 @!p1 $0x0  }
0x14: {  	s2 =	sld [smem:$0x3F97];
	s0 =	simm.s32 @p1 $0x1  }
0x15: {  	[smem:$0x3FB4] =	sst s0;
	s0 =	simm.s32 @!p2 $0x0  }
0x16: {  	s3 =	sld [smem:$0x3FDB];
	s0 =	simm.s32 @p2 $0x1  }
0x17: {  	s4 =	simm.s32 $0x1BF5;
	[smem:$0x3FB6] =	sst s0  }
0x18: {  	s0 =	sld [smem:$0x3F99];
	_ =	swait.ge [sflag:s4], $0x0  }
0x19: {  	s7 =	sld [smem:$0x3F9A]  }
0x1a: {  	s8 =	sadd.s32 $0xFFFFE003, lr  }
0x1b: {  	s9 =	sadd.s32 $0xFFFFFEF7, lr;
	s5 =	simm.s32 $0xFFFFFFFF;
	p2 =	slt.u32 s8, $0xFFFFF086  }
0x1c: {  	p1 =	slt.u32 s9, $0xF7A;
	s5 =	simm.s32 @!p2 $0x0  }
0x1d: {  	s5 =	simm.s32 @p1 $0x1;
	p0 =	seq.s32 s7, s2  }
0x1e: {  	s7 =	smul.u32 @!p0 $0xF7A, s2;
	p2 =	seq.s32 @!p0 s5, $0x0  }
0x1f: {  	s9 =	smul.u32 $0xF7A, s1;
	s8 =	simm.s32 @!p0 $0x1BF5;
	p2 =	por !p2, p0  }
0x20: {  	[sflag:s8] =	ssyncset.s32 @!p0 $0xFFFFF086;
	s6 =	sadd.s32 @!p0 s3, s7;
	s7 =	simm.s32 @!p0 $0x108  }
0x21: {  	s3 =	sadd.s32 s3, s9;
	s6 =	sadd.s32 @!p0 $0x88, s6;
	s7 =	simm.s32 @p2 $0x1082  }
0x22: {  	[simem:s7], [sflag:s8] =	dma.local @!p0 [hbm:s6], $0xF7A  }
0x23: {  	s9 =	sor.u32 $0xD0000000, s2;
	s6 =	simm.s32 $0x108;
	_ =	swait.ge @!p0 [sflag:s8], $0x0  }
0x24: {  	s3 =	sadd.s32 $0x88, s3;
	s6 =	simm.s32 @!p1 $0x1082;
	[sflag:s4] =	ssyncset.s32 $0xFFFFF086  }
0x25: {  	[simem:s6], [sflag:s4] =	dma.local [hbm:s3], $0xF7A  }
0x26: {  	[smem:$0x3F9A] =	sst s1;
	(tag) =	ssettag s2;
	_ =	strace s9  }
0x27: {  	s1 =	sld [smem:$0x3FAA]  }
0x28: {  	s2 =	sld [smem:$0x3FAB]  }
0x29: {  	s4 =	sld [smem:$0x3FAD]  }
0x2a: {  	p0 =	seq.s32 s5, $0x0;
	s5 =	sld [smem:$0x3FAE]  }
0x2b: {  	s6 =	sld [smem:$0x3FAF]  }
0x2c: {  	s7 =	sld [smem:$0x3FB0]  }
0x2d: {  	s3 =	simm.s32 $0x108;
	s8 =	sld [smem:$0x3FB1]  }
0x2e: {  	s3 =	simm.s32 @!p0 $0x1082;
	s9 =	sld [smem:$0x3FB2]  }
0x2f: {  	lr =	sadd.s32 s0, s3;
	s0 =	sld [smem:$0x3FA9]  }
0x30: {  	s3 =	sld [smem:$0x3FAC]  }
0x31: {  	[smem:$0x3FB5] =	sst s10  }
0x32: {  	s10 =	sld [smem:$0x3FB3];
	_ =	sdelay $0x3  }
0x33: {  	p0 =	seq.s32 s10, $0x1;
	s10 =	sld [smem:$0x3FB5];
	_ =	sdelay $0x3  }
0x34: {  	[smem:$0x3FB5] =	sst s10  }
0x35: {  	s10 =	sld [smem:$0x3FB4];
	_ =	sdelay $0x3  }
0x36: {  	p1 =	seq.s32 s10, $0x1;
	s10 =	sld [smem:$0x3FB5];
	_ =	sdelay $0x3  }
0x37: {  	[smem:$0x3FB5] =	sst s10  }
0x38: {  	s10 =	sld [smem:$0x3FB6]  }
0x39: {  	_ = 	snop;
	(pc) =	sbr.ind lr, $3  }
0x3a: {  	_ = 	snop  }
0x3b: {  	_ = 	snop  }
0x3c: {  	p2 =	seq.s32 s10, $0x1;
	s10 =	sld [smem:$0x3FB5]  }
0x3d: {  	_ =	shalt  }
0x3e: {  	_ =	shalt  }
0x3f: {  	_ =	shalt  }
0x40: {  	_ =	shalt  }
0x41: {  	_ =	shalt  }
0x42: {  	_ =	shalt  }
0x43: {  	_ =	shalt  }
0x44: {  	_ =	shalt  }
0x45: {  	_ =	shalt  }
0x46: {  	_ =	shalt  }
0x47: {  	_ =	shalt  }
0x48: {  	_ =	shalt  }
0x49: {  	_ =	shalt  }
0x4a: {  	_ =	shalt  }
0x4b: {  	_ =	shalt  }
0x4c: {  	_ =	shalt  }
0x4d: {  	_ =	shalt  }
0x4e: {  	_ =	shalt  }
0x4f: {  	_ =	shalt  }
0x50: {  	_ =	shalt  }
0x51: {  	_ =	shalt  }
0x52: {  	_ =	shalt  }
0x53: {  	_ =	shalt  }
0x54: {  	_ =	shalt  }
0x55: {  	_ =	shalt  }
0x56: {  	_ =	shalt  }
0x57: {  	_ =	shalt  }
0x58: {  	_ =	shalt  }
0x59: {  	_ =	shalt  }
0x5a: {  	_ =	shalt  }
0x5b: {  	_ =	shalt  }
0x5c: {  	_ =	shalt  }
0x5d: {  	_ =	shalt  }
0x5e: {  	_ =	shalt  }
0x5f: {  	_ =	shalt  }
0x60: {  	_ =	shalt  }
0x61: {  	_ =	shalt  }
0x62: {  	_ =	shalt  }
0x63: {  	_ =	shalt  }
0x64: {  	_ =	shalt  }
0x65: {  	_ =	shalt  }
0x66: {  	_ =	shalt  }
0x67: {  	_ =	shalt  }
0x68: {  	_ =	shalt  }
0x69: {  	_ =	shalt  }
0x6a: {  	_ =	shalt  }
0x6b: {  	_ =	shalt  }
0x6c: {  	_ =	shalt  }
0x6d: {  	_ =	shalt  }
0x6e: {  	_ =	shalt  }
0x6f: {  	_ =	shalt  }
0x70: {  	_ =	shalt  }
0x71: {  	_ =	shalt  }
0x72: {  	_ =	shalt  }
0x73: {  	_ =	shalt  }
0x74: {  	_ =	shalt  }
0x75: {  	_ =	shalt  }
0x76: {  	_ =	shalt  }
0x77: {  	_ =	shalt  }
0x78: {  	_ =	shalt  }
0x79: {  	_ =	shalt  }
0x7a: {  	_ =	shalt  }
0x7b: {  	_ =	shalt  }
0x7c: {  	_ =	shalt  }
0x7d: {  	_ =	shalt  }
0x7e: {  	_ =	shalt  }
0x7f: {  	_ =	shalt  }
0x80: {  	_ =	shalt  }
0x81: {  	_ =	shalt  }
0x82: {  	_ =	shalt  }
0x83: {  	_ =	shalt  }
0x84: {  	_ =	shalt  }
0x85: {  	_ =	shalt  }
0x86: {  	_ =	shalt  }
0x87: {  	_ =	shalt  }
.Lfunc_end0:
.L_simem_size_0:
called_computation_lowered:
.L_overlay_start_0:
0x88: {  	s2 =	sld [smem:$0x3FD9]  }
0x89: {  	s3 =	sld [smem:$0x3FFE];
	_ =	sdelay $0x1  }
0x8a: {  	s1 =	srdreg.scid  }
0x8b: {  	s0 =	sand.u32 $0x1, s1  }
0x8c: {  	s17 =	sshll.u32 s0, $0xA;
	s2 =	sadd.s32 s3, s2  }
0x8d: {  	s2 =	sadd.s32 s2, s17  }
0x8e: {  	[smem:$0x3FC1] =	sst s2  }
0x8f: {  	_ = 	snop  }
0x90: {  	s2 =	sld [smem:$0x3FC9];
	(tm) =	ssettm $0x1  }
0x91: {  	s18 =	sld [smem:$0x3FFB];
	_ =	sdelay $0x3  }
0x92: {  	_ =	strace s18  }
0x93: {  	s3 =	sld [smem:$0x3FFC];
	_ =	sdelay $0x3  }
0x94: {  	_ =	strace s3  }
0x95: {  	s3 =	sld [smem:$0x3FFD];
	_ =	sdelay $0x3  }
0x96: {  	_ =	strace s3  }
0x97: {  	_ =	strace $0x8FFFFFFF  }
0x98: {  	s19 =	sld [smem:$0x3FDB];
	_ =	sdelay $0x1  }
0x99: {  	s4 =	simm.s32 $_scs_section_size  }
0x9a: {  	s5 =	simm.s32 $_size__tile_overlayer_lowered;
	s6 =	simm.s32 $_tile_overlayer_lowered  }
0x9b: {  	s22 =	simm.s32 $0x1BFF;
	s21 =	sshll.u32 s6, $0x1;
	s3 =	sadd.s32 s4, s19  }
0x9c: {  	s7 =	simm.s32 $0x0;
	s20 =	sshll.u32 s5, $0x1;
	s5 =	sadd.s32 s21, s3  }
0x9d: {  	[timem:s7], [sflag:s22] =	dma.local [hbm:s5], s20  }
0x9e: {  	_ =	swait.ge [sflag:s22], s20  }
0x9f: {  	s4 =	ssub.s32 $0x0, s20;
	[sflag:s22] =	ssyncset.done $0x0  }
0xa0: {  	[sflag:s22] =	ssyncadd.s32 s4;
	_ =	sdelay $0x1  }
0xa1: {  	s23 =	simm.s32 $0x1B8B  }
0xa2: {  	_ =	swait.ge [sflag:s23], $0x1  }
0xa3: {  	[sflag:s23] =	ssyncset.done $0x0  }
0xa4: {  	s25 =	simm.s32 $0x1B8E;
	s24 =	sld [smem:$0x3FFE];
	[sflag:s23] =	ssyncadd.s32 $0xFFFFFFFF  }
0xa5: {  	s26 =	simm.s32 $execute0_lowered;
	[smem:$0x3FD2] =	sst s25  }
0xa6: {  	s5 =	sshll.u32 s26, $0x1;
	_ =	strace $0x80000046;
	[dreg:$0x1] =	wrdreg $0xFFFFFFFF  }
0xa7: {  	s28 =	simm.s32 $_size_execute0_lowered;
	s3 =	sadd.s32 s3, s5;
	[dreg:$0x0] =	wrdreg $0x0  }
0xa8: {  	s5 =	sshll.u32 s28, $0x1;
	[dreg:$0x2] =	wrdreg s3  }
0xa9: {  	[dreg:$0x3] =	wrdreg s5  }
0xaa: {  	[dreg:$0x4] =	wrdreg $0xC0  }
0xab: {  	_ =	task [dreg:s7], $0x5FFFF  }
0xac: {  	[dreg:$0x1] =	wrdreg $0xFFFFFFFF  }
0xad: {  	[dreg:$0x0] =	wrdreg $0x60  }
0xae: {  	[dreg:$0x2] =	wrdreg s24  }
0xaf: {  	[dreg:$0x3] =	wrdreg s2  }
0xb0: {  	[dreg:$0x4] =	wrdreg $0x9  }
0xb1: {  	_ =	task.clear_ibuf [dreg:s7], $0x5FFFF;
	_ =	strace $0x90000046  }
0xb2: {  	s29 =	simm.s32 $0x9;
	_ =	strace $0x8000004C  }
0xb3: {  	_ =	swait.ge [sflag:s29], $0x1  }
0xb4: {  	[sflag:s29] =	ssyncadd.s32 $0xFFFFFFFF  }
0xb5: {  	_ =	strace $0x9000004C  }
0xb6: {  	_ =	sfence  }
0xb7: {  	s30 =	sld [smem:$0x0];
	_ =	sdelay $0x2  }
0xb8: {  	s31 =	sshll.u32 s1, $0xD;
	s1 =	sshrl.u32 s1, $0x2  }
0xb9: {  	s3 =	sand.u32 $0x4000, s31;
	s1 =	sadd.s32 s1, s30  }
0xba: {  	s0 =	sor.u32 s3, s0;
	s1 =	sshll.u32 s1, $0x11  }
0xbb: {  	s0 =	sor.u32 s1, s0  }
0xbc: {  	s0 =	sadd.s32 $0x8F2B, s0  }
0xbd: {  	[sflag:s0] =	ssyncadd.remote.s32 $0x1  }
0xbe: {  	_ =	sfence.sel $0xFFFF  }
0xbf: {  	[dreg:$0x0] =	wrdreg $0xFFFFFFFF;
	(pc) =	sbr.abs _section_cstart, $3  }
0xc0: {  	[dreg:$0x1] =	wrdreg $0xFFFFFFFF  }
0xc1: {  	_ =	task.clear_ibuf [dreg:s7], $0x2FFFF;
	_ =	strace $0x9FFFFFFF  }
0xc2: {  	(tm) =	ssettm $0x7FFFFFFF  }
0xc3: {  	_ =	shalt  }
tec
execute0_lowered:
.L_overlay_start_1:
0x0: {  	(tag) =	ssettag $0x1  }
0x1: {  	s0 =	rddreg [dreg:$0x0]  }
0x2: {  	s1 =	rddreg [dreg:$0x1]  }
0x3: {  	s3 =	srdreg.scid;
	s5 =	stileid.u32;
	s2 =	simm.s32 $0x0  }
0x4: {  	s14 =	simm.s32 $0x2;
	s15 =	simm.s32 $0x1980;
	s16 =	simm.s32 $0x1880  }
0x5: {  	s17 =	simm.s32 $0x1900;
	s28 =	simm.s32 $0xD180;
	s29 =	simm.s32 $0xD980  }
0x6: {  	s30 =	simm.s32 $0xE180;
	s31 =	simm.s32 $0xE980;
	s19 =	simm.s32 $0x10180  }
0x7: {  	s20 =	simm.s32 $0x10980;
	s21 =	simm.s32 $0x11180;
	s22 =	simm.s32 $0x0  }
0x8: {  	s4 =	sand.u32 $0x1, s3;
	s24 =	sshll.u32 s5, $0x1;
	[smem:$0x7FF] =	sst s2  }
0x9: {  	s3 =	sadd.s32 $0x1200, s0;
	s5 =	sadd.s32 $0x1600, s0;
	s10 =	sadd.s32 $0x1700, s0  }
0xa: {  	s11 =	sadd.s32 $0x1800, s0;
	s12 =	sadd.s32 $0x1900, s0;
	s18 =	sor.u32 s4, s24  }
0xb: {  	_ =	strace $0x80000047;
	s6 =	ssub.s32 $0x2, s4;
	s4 =	sadd.s32 $0x1400, s0  }
0xc: {  	s25 =	sshll.u32 s18, $0x3;
	s7 =	sshrl.u32 s6, $0x1;
	s26 =	sshll.u32 s18, $0xD  }
0xd: {  	p0 =	sne.s32 s18, $0x0;
	s8 =	sadd.s32 s25, s0;
	s13 =	ssub.s32 s6, s7  }
0xe: {  	v0 =	vimm.s32 $0x0;
	v3 =	vlaneseq.u32;
	s6 =	sshll.u32 s18, $0x6;
	s7 =	sadd.s32 s1, s26;
	s18 =	simm.s32 $0x1  }
0xf: {  	vm1 =	vmmov $0xffff;
	v1 =	vand.u32 $0x7, v3;
	v2 =	vshrl.u32 v3, $0x3;
	s26 =	simm.s32 $0xC980;
	s0 =	simm.s32 $0xF180;
	s1 =	simm.s32 $0xF980  }
0x10: {  	v3 =	vor.u32 $0x8, v3;
	v2 =	vmul.u32 $0x8, v2;
	vm0 =	vcmask @!p0 $0x2F2C;
	s8 =	sadd.s32 $0xB1600, s8;
	s9 =	sor.u32 $0x1000, s6;
	s13 =	smax.u32 s13, $0x1  }
.LBB2_1:
0x11: {  	_ =	strace $0x80000048  }
0x12: {  	[tilespmem:s2], [sflag:$0x2] =	stream.linear.gather [hbm4b:s3+s2], $0x800, $0x200038;
	[tilespmem:$0x11980] =	vst v63  }
0x13: {  	_ =	swait.ge [sflag:s14], $0x800  }
0x14: {  	[sflag:s14] =	ssyncset.done $0x0  }
0x15: {  	[sflag:s14] =	ssyncadd.s32 $0xFFFFF800  }
0x16: {  	_ =	strace $0x90000048  }
0x17: {  	[tilespmem:s15], [sflag:$0x1] =	stream.linear.gather [hbm4b:s7+s2], $0x10000, $0x38;
	[tilespmem:$0x11980] =	vst v63  }
0x18: {  	[tilespmem:$0x1880] =	vst v0  }
0x19: {  	s25 =	simm.s32 $0x0;
	_ =	strace $0x80000049  }
0x1a: {  	v4 =	vld [tilespmem:s25+$0x0];
	_ =	sdelay $0x4  }
0x1b: {  	(xrf1) =	vunique.msk.u32 $0xffff, v4;
	_ =	sdelay $0xa  }
0x1c: {  	v5 =	vld.idx.msk [tilespmem:v4+s16+$0x0], $0xffff;
	_ =	sdelay $0x2  }
0x1d: {  	_, v6, vm2 =	vpop (xrf1);
	_ =	sdelay $0x1  }
0x1e: {  	v5 =	vadd.s32 v5, v6  }
0x1f: {  	v6 =	vadd.s32 $0xFFFFFFFF, v5  }
0x20: {  	s23 =	simm.s32 $0x40;
	s24 =	simm.s32 $0x80;
	[tilespmem:s25+$0x800] =	vst v6  }
.LBB2_2:
0x21: {  	p1 =	sne.s32 s24, $0x1FC0  }
0x22: {  	s25 =	sshra.s32 s23, $0x2;
	[tilespmem:v4+s16+$0x0] =	vst.idx.msk vm2, v5;
	s23 =	smov.u32 s24;
	s24 =	sadd.s32 $0x40, s24  }
0x23: {  	v4 =	vld [tilespmem:s25+$0x0];
	_ =	sdelay $0x4  }
0x24: {  	(xrf1) =	vunique.msk.u32 $0xffff, v4;
	_ =	sdelay $0xa  }
0x25: {  	v5 =	vld.idx.msk [tilespmem:v4+s16+$0x0], $0xffff;
	_ =	sdelay $0x2  }
0x26: {  	_, v6, vm2 =	vpop (xrf1)  }
.Ltmp0:
0x27: {  	(pc) =	sbr.rel @p1 .LBB2_2-.Ltmp0, $4  }
0x28: {  	_ = 	snop  }
0x29: {  	v5 =	vadd.s32 v5, v6  }
0x2a: {  	v6 =	vadd.s32 $0xFFFFFFFF, v5  }
0x2b: {  	[tilespmem:s25+$0x800] =	vst v6  }
0x2c: {  	_ =	sdelay $0x4  }
0x2d: {  	s23 =	sshra.s32 s23, $0x2;
	[tilespmem:v4+s16+$0x0] =	vst.idx.msk vm2, v5  }
0x2e: {  	v4 =	vld [tilespmem:s23+$0x0];
	_ =	sdelay $0x4  }
0x2f: {  	(xrf1) =	vunique.msk.u32 $0xffff, v4;
	_ =	sdelay $0xb  }
0x30: {  	v5 =	vld.idx.msk [tilespmem:v4+s16+$0x0], $0xffff;
	_ =	sdelay $0x1  }
0x31: {  	_, v6, vm2 =	vpop (xrf1);
	_ =	sdelay $0x2  }
0x32: {  	v5 =	vadd.s32 v5, v6  }
0x33: {  	v6 =	vadd.s32 $0xFFFFFFFF, v5  }
0x34: {  	[tilespmem:s23+$0x800] =	vst v6  }
0x35: {  	[tilespmem:v4+s16+$0x0] =	vst.idx.msk vm2, v5  }
0x36: {  	_ =	strace $0x90000049  }
0x37: {  	v4 =	vld [tilespmem:$0x1880];
	_ =	sdelay $0x4  }
0x38: {  	v4 =	vadd.s32 $0x1FF, v4  }
0x39: {  	v5 =	vshra.s32 v4, $0x1F;
	v6 =	vand.u32 $0x1FF, v4  }
0x3a: {  	vm2 =	vlt.s32 v4, $0x1;
	v5 =	vshrl.u32 v5, $0x17;
	vm3 =	vne.s32 v6, $0x0  }
0x3b: {  	v4 =	vadd.s32 v5, v4;
	vm2 =	vmand vm2, vm3  }
0x3c: {  	v4 =	vshra.s32 v4, $0x9;
	v5 =	vsel vm2, $0xFFFFFFFF, v0  }
0x3d: {  	v5 =	vadd.s32 v5, v4  }
0x3e: {  	(xrf0) =	vadd.scan.msk.s32 $0xffff, v5;
	_ =	sdelay $0x5  }
0x3f: {  	v4, _, _ =	vpop (xrf0)  }
0x40: {  	[tilespmem:$0x1900] =	vst v0;
	v5 =	vsub.s32 v4, v5  }
0x41: {  	[tilespmem:$0x1910] =	vst v0;
	v5 =	vshll.u32 v5, $0x9  }
0x42: {  	[tilespmem:$0x1880] =	vst v5  }
0x43: {  	s23 =	simm.s32 $0x0;
	_ =	strace $0x8000004A  }
.LBB2_4:
0x44: {  	s24 =	sshra.s32 s23, $0x2  }
0x45: {  	v5 =	vld [tilespmem:s24+$0x0];
	_ =	sdelay $0x6  }
0x46: {  	v6 =	vld [tilespmem:s24+$0x800]  }
0x47: {  	v7 =	vld.idx.msk [tilespmem:v5+s16+$0x0], $0xffff;
	_ =	sdelay $0x4  }
0x48: {  	v6 =	vadd.s32 v6, v7  }
0x49: {  	v7 =	vshra.s32 v6, $0x1F;
	v8 =	vand.u32 $0x1FF, v6  }
0x4a: {  	vm2 =	vlt.s32 v6, $0x1;
	v7 =	vshrl.u32 v7, $0x17;
	vm3 =	vne.s32 v8, $0x0  }
0x4b: {  	vm2 =	vmand vm2, vm3;
	v7 =	vadd.s32 v7, v6  }
0x4c: {  	v7 =	vshra.s32 v7, $0x9;
	v63 =	vsel vm2, $0xFFFFFFFF, v0  }
0x4d: {  	p1 =	sne.s32 s23, $0x1FC0;
	v7 =	vadd.s32 v63, v7  }
.Ltmp1:
0x4e: {  	_ = 	snop;
	(pc) =	sbr.rel @p1 .LBB2_4-.Ltmp1, $3  }
0x4f: {  	_ =	sdelay $0x1  }
0x50: {  	[tilespmem:s24+$0x1000] =	vst v6  }
0x51: {  	s23 =	sadd.s32 $0x40, s23;
	[tilespmem:v7+s17+$0x0] =	vst.idx.msk $0xffff, v5  }
0x52: {  	_ =	strace $0x9000004A  }
0x53: {  	[hbm4b:s8+s2] =	stream.linear.scatter [tilespmem:s9], [sflag:$0x2], $0x40, $0x38;
	[tilespmem:$0x11980] =	vst v63  }
0x54: {  	v4 =	vxor.u32 @!p0 $0x80000000, v4;
	_ =	swait.ge [sflag:s14], $0x40  }
0x55: {  	(xrf0) =	vmax.scan.msk.u32 @!p0 $0xffff, v4;
	_ =	sdelay $0x5  }
0x56: {  	v4, _, _ =	vpop @!p0 (xrf0)  }
0x57: {  	(v2sf) =	vpush @!p0 v4, $0xF;
	_ =	sdelay $0xe  }
0x58: {  	s23 =	spop @!p0 (v2sf)  }
0x59: {  	s23 =	sxor.u32 @!p0 $0x80000000, s23  }
0x5a: {  	v4 =	vmov @!p0 s23  }
0x5b: {  	v5 =	vadd.s32 @!p0 $0xFFFFFFFF, v4;
	_ =	sdelay $0x1  }
0x5c: {  	[sflag:s14] =	ssyncset.done $0x0  }
0x5d: {  	[sflag:s14] =	ssyncadd.s32 $0xFFFFFFC0  }
0x5e: {  	s24 =	simm.s32 @!p0 $0x1900;
	v6 =	vld @!p0 [tilespmem:$0x1900]  }
0x5f: {  	v5 =	vld.idx.msk @!p0 [tilespmem:v5+s24+$0x0], $0xffff;
	_ =	sdelay $0x1  }
0x60: {  	v7 =	vlaneseq.u32 @!p0;
	v8 =	vld @!p0 [tilespmem:$0x1910]  }
0x61: {  	v9 =	vsub.s32 @!p0 v7, v4  }
0x62: {  	v7 =	vor.u32 @!p0 $0x10, v7;
	vm2 =	vlt.s32 @!p0 v9, $0x0  }
0x63: {  	v4 =	vsub.s32 @!p0 v7, v4;
	v6 =	vsel @!p0 vm2, v6, v5  }
0x64: {  	vm2 =	vlt.s32 @!p0 v4, $0x0;
	v6 =	vsel @!p0 vm0, s23, v6  }
0x65: {  	v4 =	vsel @!p0 vm2, v8, v5;
	[tilespmem:$0x1900] =	vst @!p0 v6  }
0x66: {  	s23 =	simm.s32 @!p0 $0x0;
	[tilespmem:$0x1910] =	vst @!p0 v4  }
0x67: {  	[hbm4b:s4+s23] =	stream.linear.scatter @!p0 [tilespmem:s24], [sflag:$0x2], $0x80, $0x38;
	[tilespmem:$0x11980] =	vst v63  }
0x68: {  	s23 =	simm.s32 @!p0 $0x2  }
0x69: {  	_ =	swait.ge @!p0 [sflag:s23], $0x80  }
0x6a: {  	[sflag:s23] =	ssyncset.done @!p0 $0x0  }
0x6b: {  	[sflag:s23] =	ssyncadd.s32 @!p0 $0xFFFFFF80  }
0x6c: {  	_ =	strace $0x8000004B  }
0x6d: {  	v4 =	vld [tilespmem:s6+$0x1000];
	_ =	sdelay $0x4  }
0x6e: {  	[tilespmem:$0x1800] =	vst v4  }
0x6f: {  	v5 =	vld [tilespmem:s6+$0x1010];
	_ =	sdelay $0x4  }
0x70: {  	[tilespmem:$0x1810] =	vst v5  }
0x71: {  	v5 =	vld [tilespmem:s6+$0x1020];
	_ =	sdelay $0x4  }
0x72: {  	[tilespmem:$0x1820] =	vst v5;
	v5 =	vshll.u32 v4, $0x3  }
0x73: {  	v4 =	vand.u32 $0x7, v4;
	v63 =	vld [tilespmem:s6+$0x1030];
	v5 =	vand.u32 $0xFFFFFFC0, v5  }
0x74: {  	v4 =	vor.u32 v4, v5  }
0x75: {  	v5 =	vperm.xlane v4, v1;
	_ =	sdelay $0x1  }
0x76: {  	v5 =	vadd.s32 v2, v5  }
0x77: {  	[tilespmem:$0x1830] =	vst v63  }
0x78: {  	_ =	swait.ge [sflag:s18], $0x10000  }
0x79: {  	[sflag:s18] =	ssyncset.done $0x0  }
0x7a: {  	[sflag:s18] =	ssyncadd.s32 $0xFFFF0000  }
0x7b: {  	[hbm4b:s5+s2] =	stream.indirect_vreg.scatter [tilespmem:s15], [sflag:$0x1], $0x80, v5, vm1, $0x2000b8;
	[tilespmem:$0x11980] =	vst v63  }
0x7c: {  	s25 =	simm.s32 $0x2180;
	v4 =	vperm.xlane v4, v3  }
0x7d: {  	[hbm4b:s10+s2] =	stream.indirect_vreg.scatter [tilespmem:s25], [sflag:$0x1], $0x80, v5, vm1, $0x2000b8;
	[tilespmem:$0x11980] =	vst v63  }
0x7e: {  	s24 =	simm.s32 $0x2980;
	v4 =	vadd.s32 v2, v4  }
0x7f: {  	[hbm4b:s11+s2] =	stream.indirect_vreg.scatter [tilespmem:s24], [sflag:$0x1], $0x80, v5, vm1, $0x2000b8;
	[tilespmem:$0x11980] =	vst v63  }
0x80: {  	s25 =	simm.s32 $0x3180  }
0x81: {  	[hbm4b:s12+s2] =	stream.indirect_vreg.scatter [tilespmem:s25], [sflag:$0x1], $0x80, v5, vm1, $0x2000b8;
	[tilespmem:$0x11980] =	vst v63  }
0x82: {  	s24 =	simm.s32 $0x3980  }
0x83: {  	[hbm4b:s5+s2] =	stream.indirect_vreg.scatter [tilespmem:s24], [sflag:$0x1], $0x80, v4, vm1, $0x2000b8;
	[tilespmem:$0x11980] =	vst v63  }
0x84: {  	s25 =	simm.s32 $0x4180  }
0x85: {  	[hbm4b:s10+s2] =	stream.indirect_vreg.scatter [tilespmem:s25], [sflag:$0x1], $0x80, v4, vm1, $0x2000b8;
	[tilespmem:$0x11980] =	vst v63  }
0x86: {  	s24 =	simm.s32 $0x4980  }
0x87: {  	[hbm4b:s11+s2] =	stream.indirect_vreg.scatter [tilespmem:s24], [sflag:$0x1], $0x80, v4, vm1, $0x2000b8;
	[tilespmem:$0x11980] =	vst v63  }
0x88: {  	s25 =	simm.s32 $0x5180  }
0x89: {  	[hbm4b:s12+s2] =	stream.indirect_vreg.scatter [tilespmem:s25], [sflag:$0x1], $0x80, v4, vm1, $0x2000b8;
	[tilespmem:$0x11980] =	vst v63  }
0x8a: {  	v4 =	vld [tilespmem:$0x1810];
	_ =	sdelay $0x4  }
0x8b: {  	v5 =	vshll.u32 v4, $0x3  }
0x8c: {  	v4 =	vand.u32 $0x7, v4;
	v5 =	vand.u32 $0xFFFFFFC0, v5  }
0x8d: {  	v4 =	vor.u32 v4, v5  }
0x8e: {  	v5 =	vperm.xlane v4, v1;
	_ =	sdelay $0x1  }
0x8f: {  	v5 =	vadd.s32 v2, v5;
	_ =	sdelay $0x3  }
0x90: {  	s24 =	simm.s32 $0x5980  }
0x91: {  	[hbm4b:s5+s2] =	stream.indirect_vreg.scatter [tilespmem:s24], [sflag:$0x1], $0x80, v5, vm1, $0x2000b8;
	[tilespmem:$0x11980] =	vst v63  }
0x92: {  	s25 =	simm.s32 $0x6180;
	v4 =	vperm.xlane v4, v3  }
0x93: {  	[hbm4b:s10+s2] =	stream.indirect_vreg.scatter [tilespmem:s25], [sflag:$0x1], $0x80, v5, vm1, $0x2000b8;
	[tilespmem:$0x11980] =	vst v63  }
0x94: {  	v4 =	vadd.s32 v2, v4;
	s24 =	simm.s32 $0x6980  }
0x95: {  	[hbm4b:s11+s2] =	stream.indirect_vreg.scatter [tilespmem:s24], [sflag:$0x1], $0x80, v5, vm1, $0x2000b8;
	[tilespmem:$0x11980] =	vst v63  }
0x96: {  	s25 =	simm.s32 $0x7180  }
0x97: {  	[hbm4b:s12+s2] =	stream.indirect_vreg.scatter [tilespmem:s25], [sflag:$0x1], $0x80, v5, vm1, $0x2000b8;
	[tilespmem:$0x11980] =	vst v63  }
0x98: {  	s24 =	simm.s32 $0x7980  }
0x99: {  	[hbm4b:s5+s2] =	stream.indirect_vreg.scatter [tilespmem:s24], [sflag:$0x1], $0x80, v4, vm1, $0x2000b8;
	[tilespmem:$0x11980] =	vst v63  }
0x9a: {  	s25 =	simm.s32 $0x8180  }
0x9b: {  	[hbm4b:s10+s2] =	stream.indirect_vreg.scatter [tilespmem:s25], [sflag:$0x1], $0x80, v4, vm1, $0x2000b8;
	[tilespmem:$0x11980] =	vst v63  }
0x9c: {  	s24 =	simm.s32 $0x8980  }
0x9d: {  	[hbm4b:s11+s2] =	stream.indirect_vreg.scatter [tilespmem:s24], [sflag:$0x1], $0x80, v4, vm1, $0x2000b8;
	[tilespmem:$0x11980] =	vst v63  }
0x9e: {  	s25 =	simm.s32 $0x9180  }
0x9f: {  	[hbm4b:s12+s2] =	stream.indirect_vreg.scatter [tilespmem:s25], [sflag:$0x1], $0x80, v4, vm1, $0x2000b8;
	[tilespmem:$0x11980] =	vst v63  }
0xa0: {  	v4 =	vld [tilespmem:$0x1820];
	_ =	sdelay $0x4  }
0xa1: {  	v5 =	vshll.u32 v4, $0x3  }
0xa2: {  	v4 =	vand.u32 $0x7, v4;
	v5 =	vand.u32 $0xFFFFFFC0, v5  }
0xa3: {  	v4 =	vor.u32 v4, v5  }
0xa4: {  	v5 =	vperm.xlane v4, v1;
	_ =	sdelay $0x1  }
0xa5: {  	v5 =	vadd.s32 v2, v5;
	_ =	sdelay $0x3  }
0xa6: {  	s24 =	simm.s32 $0x9980  }
0xa7: {  	[hbm4b:s5+s2] =	stream.indirect_vreg.scatter [tilespmem:s24], [sflag:$0x1], $0x80, v5, vm1, $0x2000b8;
	[tilespmem:$0x11980] =	vst v63  }
0xa8: {  	s25 =	simm.s32 $0xA180;
	v4 =	vperm.xlane v4, v3  }
0xa9: {  	[hbm4b:s10+s2] =	stream.indirect_vreg.scatter [tilespmem:s25], [sflag:$0x1], $0x80, v5, vm1, $0x2000b8;
	[tilespmem:$0x11980] =	vst v63  }
0xaa: {  	v4 =	vadd.s32 v2, v4;
	s24 =	simm.s32 $0xA980  }
0xab: {  	[hbm4b:s11+s2] =	stream.indirect_vreg.scatter [tilespmem:s24], [sflag:$0x1], $0x80, v5, vm1, $0x2000b8;
	[tilespmem:$0x11980] =	vst v63  }
0xac: {  	s25 =	simm.s32 $0xB180  }
0xad: {  	[hbm4b:s12+s2] =	stream.indirect_vreg.scatter [tilespmem:s25], [sflag:$0x1], $0x80, v5, vm1, $0x2000b8;
	[tilespmem:$0x11980] =	vst v63  }
0xae: {  	s24 =	simm.s32 $0xB980  }
0xaf: {  	[hbm4b:s5+s2] =	stream.indirect_vreg.scatter [tilespmem:s24], [sflag:$0x1], $0x80, v4, vm1, $0x2000b8;
	[tilespmem:$0x11980] =	vst v63  }
0xb0: {  	s25 =	simm.s32 $0xC180  }
0xb1: {  	[hbm4b:s10+s2] =	stream.indirect_vreg.scatter [tilespmem:s25], [sflag:$0x1], $0x80, v4, vm1, $0x2000b8;
	[tilespmem:$0x11980] =	vst v63  }
0xb2: {  	_ = 	snop  }
0xb3: {  	[hbm4b:s11+s2] =	stream.indirect_vreg.scatter [tilespmem:s26], [sflag:$0x1], $0x80, v4, vm1, $0x2000b8;
	[tilespmem:$0x11980] =	vst v63  }
0xb4: {  	_ = 	snop  }
0xb5: {  	[hbm4b:s12+s2] =	stream.indirect_vreg.scatter [tilespmem:s28], [sflag:$0x1], $0x80, v4, vm1, $0x2000b8;
	[tilespmem:$0x11980] =	vst v63  }
0xb6: {  	v4 =	vld [tilespmem:$0x1830];
	_ =	sdelay $0x4  }
0xb7: {  	v5 =	vshll.u32 v4, $0x3  }
0xb8: {  	v4 =	vand.u32 $0x7, v4;
	v5 =	vand.u32 $0xFFFFFFC0, v5  }
0xb9: {  	v4 =	vor.u32 v4, v5  }
0xba: {  	v5 =	vperm.xlane v4, v1;
	_ =	sdelay $0x1  }
0xbb: {  	v5 =	vadd.s32 v2, v5;
	_ =	sdelay $0x4  }
0xbc: {  	[hbm4b:s5+s2] =	stream.indirect_vreg.scatter [tilespmem:s29], [sflag:$0x1], $0x80, v5, vm1, $0x2000b8;
	[tilespmem:$0x11980] =	vst v63  }
0xbd: {  	v4 =	vperm.xlane v4, v3  }
0xbe: {  	[hbm4b:s10+s2] =	stream.indirect_vreg.scatter [tilespmem:s30], [sflag:$0x1], $0x80, v5, vm1, $0x2000b8;
	[tilespmem:$0x11980] =	vst v63  }
0xbf: {  	v4 =	vadd.s32 v2, v4  }
0xc0: {  	[hbm4b:s11+s2] =	stream.indirect_vreg.scatter [tilespmem:s31], [sflag:$0x1], $0x80, v5, vm1, $0x2000b8;
	[tilespmem:$0x11980] =	vst v63  }
0xc1: {  	_ = 	snop  }
0xc2: {  	[hbm4b:s12+s2] =	stream.indirect_vreg.scatter [tilespmem:s0], [sflag:$0x1], $0x80, v5, vm1, $0x2000b8;
	[tilespmem:$0x11980] =	vst v63  }
0xc3: {  	_ = 	snop  }
0xc4: {  	[hbm4b:s5+s2] =	stream.indirect_vreg.scatter [tilespmem:s1], [sflag:$0x1], $0x80, v4, vm1, $0x2000b8;
	[tilespmem:$0x11980] =	vst v63  }
0xc5: {  	_ = 	snop  }
0xc6: {  	[hbm4b:s10+s2] =	stream.indirect_vreg.scatter [tilespmem:s19], [sflag:$0x1], $0x80, v4, vm1, $0x2000b8;
	[tilespmem:$0x11980] =	vst v63  }
0xc7: {  	s22 =	sadd.s32 $0x1, s22  }
0xc8: {  	[hbm4b:s11+s2] =	stream.indirect_vreg.scatter [tilespmem:s20], [sflag:$0x1], $0x80, v4, vm1, $0x2000b8;
	[tilespmem:$0x11980] =	vst v63  }
0xc9: {  	p1 =	sne.s32 s22, s13  }
0xca: {  	[hbm4b:s12+s2] =	stream.indirect_vreg.scatter [tilespmem:s21], [sflag:$0x1], $0x80, v4, vm1, $0x2000b8;
	[tilespmem:$0x11980] =	vst v63  }
.Ltmp2:
0xcb: {  	_ = 	snop;
	(pc) =	sbr.rel @p1 .LBB2_1-.Ltmp2, $4  }
0xcc: {  	_ =	swait.ge [sflag:s18], $0x10000  }
0xcd: {  	[sflag:s18] =	ssyncset.done $0x0  }
0xce: {  	[sflag:s18] =	ssyncadd.s32 $0xFFFF0000  }
0xcf: {  	_ =	strace $0x9000004B  }
0xd0: {  	_ =	sfence.sel $0x180000  }
0xd1: {  	[bflag:$0x0] =	sbarrier.arrive $0xFFFF  }
0xd2: {  	_ =	strace $0x90000047  }
0xd3: {  	s0 =	stileid.u32;
	[bflag:$0x2] =	sbarrier.arrive $0xFFFF  }
0xd4: {  	p0 =	sne.s32 s0, $0x0;
	s0 =	rddreg [dreg:$0x2]  }
0xd5: {  	s0 =	sadd.s32 @!p0 $0x100000, s0  }
0xd6: {  	[sflag:s0] =	ssyncadd.tile.s32 @!p0 $0x1;
	_ =	shalt  }
.Lfunc_end2:
_tile_overlayer_lowered:
.L_overlay_start_2:
0xd7: {  	(tag) =	ssettag $0x2  }
0xd8: {  	s0 =	rddreg [dreg:$0x0];
	s2 =	stileid.u32  }
0xd9: {  	s1 =	rddreg [dreg:$0x1];
	p0 =	sne.s32 s2, $0x0  }
0xda: {  	s3 =	rddreg [dreg:$0x2];
	[bflag:$0x3] =	sbarrier.arrive $0xFFFF;
	s2 =	simm.s32 @!p0 $0x1C02  }
0xdb: {  	[timem:s3], [sflag:s2] =	dma.local @!p0 [hbm:s0], s1  }
0xdc: {  	s0 =	simm.s32 @!p0 $0x2  }
0xdd: {  	_ =	swait.ge @!p0 [sflag:s0], s1  }
0xde: {  	s1 =	ssub.s32 @!p0 $0x0, s1;
	[sflag:s0] =	ssyncset.done @!p0 $0x0  }
0xdf: {  	[sflag:s0] =	ssyncadd.s32 @!p0 s1  }
0xe0: {  	[bflag:$0x3] =	sbarrier.arrive $0xFFFF  }
0xe1: {  	_ =	shalt  }

// kernel: kernel.9.cloned.1.call-start
scs
__scs_entry_jumppad:
0x0: {  	(pc) =	sbr.rel $0x88, $3  }
0x1: {  	(tag) =	ssettag $0x0;
	lr =	simm.s32 $0x1  }
0x2: {  	[smem:$0x3F9A] =	sst lr;
	_ =	strace $0xD0000000  }
0x3: {  	_ = 	snop  }
0x4: {  	_ = 	snop  }
0x5: {  	_ = 	snop  }
0x6: {  	_ = 	snop  }
0x7: {  	_ = 	snop  }
__scs_overlays_trampoline_lowered:
0x8: {  	[smem:$0x3FA9] =	sst s0  }
0x9: {  	[smem:$0x3FAA] =	sst s1  }
0xa: {  	[smem:$0x3FAB] =	sst s2  }
0xb: {  	[smem:$0x3FAC] =	sst s3  }
0xc: {  	[smem:$0x3FAD] =	sst s4  }
0xd: {  	[smem:$0x3FAE] =	sst s5  }
0xe: {  	[smem:$0x3FAF] =	sst s6  }
0xf: {  	[smem:$0x3FB0] =	sst s7  }
0x10: {  	[smem:$0x3FB1] =	sst s8  }
0x11: {  	[smem:$0x3FB2] =	sst s9;
	s0 =	simm.s32 @!p0 $0x0  }
0x12: {  	s1 =	sld [smem:$0x3F98];
	s0 =	simm.s32 @p0 $0x1  }
0x13: {  	[smem:$0x3FB3] =	sst s0;
	s0 =	simm.s32 @!p1 $0x0  }
0x14: {  	s2 =	sld [smem:$0x3F97];
	s0 =	simm.s32 @p1 $0x1  }
0x15: {  	[smem:$0x3FB4] =	sst s0;
	s0 =	simm.s32 @!p2 $0x0  }
0x16: {  	s3 =	sld [smem:$0x3FDB];
	s0 =	simm.s32 @p2 $0x1  }
0x17: {  	s4 =	simm.s32 $0x1BF5;
	[smem:$0x3FB6] =	sst s0  }
0x18: {  	s0 =	sld [smem:$0x3F99];
	_ =	swait.ge [sflag:s4], $0x0  }
0x19: {  	s7 =	sld [smem:$0x3F9A]  }
0x1a: {  	s8 =	sadd.s32 $0xFFFFE003, lr  }
0x1b: {  	s9 =	sadd.s32 $0xFFFFFEF7, lr;
	s5 =	simm.s32 $0xFFFFFFFF;
	p2 =	slt.u32 s8, $0xFFFFF086  }
0x1c: {  	p1 =	slt.u32 s9, $0xF7A;
	s5 =	simm.s32 @!p2 $0x0  }
0x1d: {  	s5 =	simm.s32 @p1 $0x1;
	p0 =	seq.s32 s7, s2  }
0x1e: {  	s7 =	smul.u32 @!p0 $0xF7A, s2;
	p2 =	seq.s32 @!p0 s5, $0x0  }
0x1f: {  	s9 =	smul.u32 $0xF7A, s1;
	s8 =	simm.s32 @!p0 $0x1BF5;
	p2 =	por !p2, p0  }
0x20: {  	[sflag:s8] =	ssyncset.s32 @!p0 $0xFFFFF086;
	s6 =	sadd.s32 @!p0 s3, s7;
	s7 =	simm.s32 @!p0 $0x108  }
0x21: {  	s3 =	sadd.s32 s3, s9;
	s6 =	sadd.s32 @!p0 $0x88, s6;
	s7 =	simm.s32 @p2 $0x1082  }
0x22: {  	[simem:s7], [sflag:s8] =	dma.local @!p0 [hbm:s6], $0xF7A  }
0x23: {  	s9 =	sor.u32 $0xD0000000, s2;
	s6 =	simm.s32 $0x108;
	_ =	swait.ge @!p0 [sflag:s8], $0x0  }
0x24: {  	s3 =	sadd.s32 $0x88, s3;
	s6 =	simm.s32 @!p1 $0x1082;
	[sflag:s4] =	ssyncset.s32 $0xFFFFF086  }
0x25: {  	[simem:s6], [sflag:s4] =	dma.local [hbm:s3], $0xF7A  }
0x26: {  	[smem:$0x3F9A] =	sst s1;
	(tag) =	ssettag s2;
	_ =	strace s9  }
0x27: {  	s1 =	sld [smem:$0x3FAA]  }
0x28: {  	s2 =	sld [smem:$0x3FAB]  }
0x29: {  	s4 =	sld [smem:$0x3FAD]  }
0x2a: {  	p0 =	seq.s32 s5, $0x0;
	s5 =	sld [smem:$0x3FAE]  }
0x2b: {  	s6 =	sld [smem:$0x3FAF]  }
0x2c: {  	s7 =	sld [smem:$0x3FB0]  }
0x2d: {  	s3 =	simm.s32 $0x108;
	s8 =	sld [smem:$0x3FB1]  }
0x2e: {  	s3 =	simm.s32 @!p0 $0x1082;
	s9 =	sld [smem:$0x3FB2]  }
0x2f: {  	lr =	sadd.s32 s0, s3;
	s0 =	sld [smem:$0x3FA9]  }
0x30: {  	s3 =	sld [smem:$0x3FAC]  }
0x31: {  	[smem:$0x3FB5] =	sst s10  }
0x32: {  	s10 =	sld [smem:$0x3FB3];
	_ =	sdelay $0x3  }
0x33: {  	p0 =	seq.s32 s10, $0x1;
	s10 =	sld [smem:$0x3FB5];
	_ =	sdelay $0x3  }
0x34: {  	[smem:$0x3FB5] =	sst s10  }
0x35: {  	s10 =	sld [smem:$0x3FB4];
	_ =	sdelay $0x3  }
0x36: {  	p1 =	seq.s32 s10, $0x1;
	s10 =	sld [smem:$0x3FB5];
	_ =	sdelay $0x3  }
0x37: {  	[smem:$0x3FB5] =	sst s10  }
0x38: {  	s10 =	sld [smem:$0x3FB6]  }
0x39: {  	_ = 	snop;
	(pc) =	sbr.ind lr, $3  }
0x3a: {  	_ = 	snop  }
0x3b: {  	_ = 	snop  }
0x3c: {  	p2 =	seq.s32 s10, $0x1;
	s10 =	sld [smem:$0x3FB5]  }
0x3d: {  	_ =	shalt  }
0x3e: {  	_ =	shalt  }
0x3f: {  	_ =	shalt  }
0x40: {  	_ =	shalt  }
0x41: {  	_ =	shalt  }
0x42: {  	_ =	shalt  }
0x43: {  	_ =	shalt  }
0x44: {  	_ =	shalt  }
0x45: {  	_ =	shalt  }
0x46: {  	_ =	shalt  }
0x47: {  	_ =	shalt  }
0x48: {  	_ =	shalt  }
0x49: {  	_ =	shalt  }
0x4a: {  	_ =	shalt  }
0x4b: {  	_ =	shalt  }
0x4c: {  	_ =	shalt  }
0x4d: {  	_ =	shalt  }
0x4e: {  	_ =	shalt  }
0x4f: {  	_ =	shalt  }
0x50: {  	_ =	shalt  }
0x51: {  	_ =	shalt  }
0x52: {  	_ =	shalt  }
0x53: {  	_ =	shalt  }
0x54: {  	_ =	shalt  }
0x55: {  	_ =	shalt  }
0x56: {  	_ =	shalt  }
0x57: {  	_ =	shalt  }
0x58: {  	_ =	shalt  }
0x59: {  	_ =	shalt  }
0x5a: {  	_ =	shalt  }
0x5b: {  	_ =	shalt  }
0x5c: {  	_ =	shalt  }
0x5d: {  	_ =	shalt  }
0x5e: {  	_ =	shalt  }
0x5f: {  	_ =	shalt  }
0x60: {  	_ =	shalt  }
0x61: {  	_ =	shalt  }
0x62: {  	_ =	shalt  }
0x63: {  	_ =	shalt  }
0x64: {  	_ =	shalt  }
0x65: {  	_ =	shalt  }
0x66: {  	_ =	shalt  }
0x67: {  	_ =	shalt  }
0x68: {  	_ =	shalt  }
0x69: {  	_ =	shalt  }
0x6a: {  	_ =	shalt  }
0x6b: {  	_ =	shalt  }
0x6c: {  	_ =	shalt  }
0x6d: {  	_ =	shalt  }
0x6e: {  	_ =	shalt  }
0x6f: {  	_ =	shalt  }
0x70: {  	_ =	shalt  }
0x71: {  	_ =	shalt  }
0x72: {  	_ =	shalt  }
0x73: {  	_ =	shalt  }
0x74: {  	_ =	shalt  }
0x75: {  	_ =	shalt  }
0x76: {  	_ =	shalt  }
0x77: {  	_ =	shalt  }
0x78: {  	_ =	shalt  }
0x79: {  	_ =	shalt  }
0x7a: {  	_ =	shalt  }
0x7b: {  	_ =	shalt  }
0x7c: {  	_ =	shalt  }
0x7d: {  	_ =	shalt  }
0x7e: {  	_ =	shalt  }
0x7f: {  	_ =	shalt  }
0x80: {  	_ =	shalt  }
0x81: {  	_ =	shalt  }
0x82: {  	_ =	shalt  }
0x83: {  	_ =	shalt  }
0x84: {  	_ =	shalt  }
0x85: {  	_ =	shalt  }
0x86: {  	_ =	shalt  }
0x87: {  	_ =	shalt  }
.Lfunc_end0:
.L_simem_size_0:
called_computation.1_lowered:
.L_overlay_start_0:
0x88: {  	s2 =	sld [smem:$0x3FD9]  }
0x89: {  	s3 =	sld [smem:$0x3FFE];
	_ =	sdelay $0x1  }
0x8a: {  	s1 =	srdreg.scid  }
0x8b: {  	s0 =	sand.u32 $0x1, s1  }
0x8c: {  	s17 =	sshll.u32 s0, $0xA;
	s2 =	sadd.s32 s3, s2  }
0x8d: {  	s2 =	sadd.s32 s2, s17  }
0x8e: {  	[smem:$0x3FC1] =	sst s2  }
0x8f: {  	_ = 	snop  }
0x90: {  	s2 =	sld [smem:$0x3FD0];
	(tm) =	ssettm $0x1  }
0x91: {  	s18 =	sld [smem:$0x3FFB];
	_ =	sdelay $0x3  }
0x92: {  	_ =	strace s18  }
0x93: {  	s3 =	sld [smem:$0x3FFC];
	_ =	sdelay $0x3  }
0x94: {  	_ =	strace s3  }
0x95: {  	s3 =	sld [smem:$0x3FFD];
	_ =	sdelay $0x3  }
0x96: {  	_ =	strace s3  }
0x97: {  	_ =	strace $0x8FFFFFFF  }
0x98: {  	s19 =	sld [smem:$0x3FDB];
	_ =	sdelay $0x1  }
0x99: {  	s4 =	simm.s32 $_scs_section_size  }
0x9a: {  	s5 =	simm.s32 $_size__tile_overlayer_lowered;
	s6 =	simm.s32 $_tile_overlayer_lowered  }
0x9b: {  	s22 =	simm.s32 $0x1BFF;
	s21 =	sshll.u32 s6, $0x1;
	s3 =	sadd.s32 s4, s19  }
0x9c: {  	s7 =	simm.s32 $0x0;
	s20 =	sshll.u32 s5, $0x1;
	s5 =	sadd.s32 s21, s3  }
0x9d: {  	[timem:s7], [sflag:s22] =	dma.local [hbm:s5], s20  }
0x9e: {  	_ =	swait.ge [sflag:s22], s20  }
0x9f: {  	s4 =	ssub.s32 $0x0, s20;
	[sflag:s22] =	ssyncset.done $0x0  }
0xa0: {  	[sflag:s22] =	ssyncadd.s32 s4;
	_ =	sdelay $0x1  }
0xa1: {  	s23 =	simm.s32 $0x1B8B  }
0xa2: {  	_ =	swait.ge [sflag:s23], $0x1  }
0xa3: {  	[sflag:s23] =	ssyncset.done $0x0  }
0xa4: {  	s25 =	simm.s32 $0x1B8E;
	s24 =	sld [smem:$0x3FFE];
	[sflag:s23] =	ssyncadd.s32 $0xFFFFFFFF  }
0xa5: {  	s26 =	simm.s32 $execute0_lowered;
	[smem:$0x3FD2] =	sst s25  }
0xa6: {  	s5 =	sshll.u32 s26, $0x1;
	_ =	strace $0x8000004D;
	[dreg:$0x1] =	wrdreg $0xFFFFFFFF  }
0xa7: {  	s28 =	simm.s32 $_size_execute0_lowered;
	s3 =	sadd.s32 s3, s5;
	[dreg:$0x0] =	wrdreg $0x0  }
0xa8: {  	s5 =	sshll.u32 s28, $0x1;
	[dreg:$0x2] =	wrdreg s3  }
0xa9: {  	[dreg:$0x3] =	wrdreg s5  }
0xaa: {  	[dreg:$0x4] =	wrdreg $0xC0  }
0xab: {  	_ =	task [dreg:s7], $0x5FFFF  }
0xac: {  	[dreg:$0x1] =	wrdreg $0xFFFFFFFF  }
0xad: {  	[dreg:$0x0] =	wrdreg $0x60  }
0xae: {  	[dreg:$0x2] =	wrdreg s24  }
0xaf: {  	[dreg:$0x3] =	wrdreg s2  }
0xb0: {  	[dreg:$0x4] =	wrdreg $0x9  }
0xb1: {  	_ =	task.clear_ibuf [dreg:s7], $0x5FFFF;
	_ =	strace $0x9000004D  }
0xb2: {  	s29 =	simm.s32 $0x9;
	_ =	strace $0x8000004F  }
0xb3: {  	_ =	swait.ge [sflag:s29], $0x1  }
0xb4: {  	[sflag:s29] =	ssyncadd.s32 $0xFFFFFFFF  }
0xb5: {  	_ =	strace $0x9000004F  }
0xb6: {  	_ =	sfence  }
0xb7: {  	s30 =	sld [smem:$0x0];
	_ =	sdelay $0x2  }
0xb8: {  	s31 =	sshll.u32 s1, $0xD;
	s1 =	sshrl.u32 s1, $0x2  }
0xb9: {  	s3 =	sand.u32 $0x4000, s31;
	s1 =	sadd.s32 s1, s30  }
0xba: {  	s0 =	sor.u32 s3, s0;
	s1 =	sshll.u32 s1, $0x11  }
0xbb: {  	s0 =	sor.u32 s1, s0  }
0xbc: {  	s0 =	sadd.s32 $0x8F2B, s0  }
0xbd: {  	[sflag:s0] =	ssyncadd.remote.s32 $0x1  }
0xbe: {  	_ =	sfence.sel $0xFFFF  }
0xbf: {  	[dreg:$0x0] =	wrdreg $0xFFFFFFFF;
	(pc) =	sbr.abs _section_cstart, $3  }
0xc0: {  	[dreg:$0x1] =	wrdreg $0xFFFFFFFF  }
0xc1: {  	_ =	task.clear_ibuf [dreg:s7], $0x2FFFF;
	_ =	strace $0x9FFFFFFF  }
0xc2: {  	(tm) =	ssettm $0x7FFFFFFF  }
0xc3: {  	_ =	shalt  }
tec
execute0_lowered:
.L_overlay_start_1:
0x0: {  	(tag) =	ssettag $0x1  }
0x1: {  	s1 =	srdreg.scid  }
0x2: {  	s0 =	stileid.u32;
	s6 =	rddreg [dreg:$0x0]  }
0x3: {  	s4 =	rddreg [dreg:$0x1];
	s18 =	simm.s32 $0x880;
	s19 =	simm.s32 $0x1080  }
0x4: {  	s20 =	simm.s32 $0x1880;
	s22 =	simm.s32 $0x2080;
	s23 =	simm.s32 $0x2880  }
0x5: {  	s7 =	simm.s32 $0x3080;
	s24 =	simm.s32 $0x3880;
	s8 =	simm.s32 $0x4080  }
0x6: {  	s25 =	simm.s32 $0x4880;
	s26 =	simm.s32 $0x5080;
	s1 =	sand.u32 $0x1, s1  }
0x7: {  	s9 =	simm.s32 $0x80;
	s2 =	sshll.u32 s0, $0x7;
	s3 =	sshll.u32 s1, $0x6  }
0x8: {  	s11 =	simm.s32 $0x6080;
	s3 =	sor.u32 s3, s2;
	s2 =	simm.s32 $0x0  }
0x9: {  	s12 =	simm.s32 $0x6880;
	s13 =	simm.s32 $0x7080;
	[smem:$0x7FF] =	sst s2  }
0xa: {  	s14 =	simm.s32 $0x7880;
	_ =	strace $0x8000004E;
	[dreg:$0x5] =	wrdreg s18  }
0xb: {  	s15 =	simm.s32 $0x8080;
	s16 =	simm.s32 $0x8880;
	[dreg:$0x6] =	wrdreg s19  }
0xc: {  	s17 =	simm.s32 $0x9080;
	s28 =	simm.s32 $0xE080;
	[dreg:$0x7] =	wrdreg s20  }
0xd: {  	s29 =	simm.s32 $0xE880;
	s30 =	simm.s32 $0xF080;
	[dreg:$0x8] =	wrdreg s22  }
0xe: {  	s31 =	simm.s32 $0xF880;
	s1 =	ssub.s32 $0x2, s1;
	[dreg:$0x9] =	wrdreg s23  }
0xf: {  	s21 =	sshrl.u32 s1, $0x1;
	s5 =	sshrl.u32 s3, $0x3;
	[dreg:$0xa] =	wrdreg s7  }
0x10: {  	s3 =	sshll.u32 s3, $0x7;
	s1 =	ssub.s32 s1, s21;
	[dreg:$0xb] =	wrdreg s24  }
0x11: {  	s21 =	simm.s32 $0xB080;
	s5 =	sadd.s32 s5, s6;
	[dreg:$0xc] =	wrdreg s8  }
0x12: {  	s3 =	sadd.s32 s4, s3;
	s4 =	sadd.s32 $0xB1D00, s6;
	[dreg:$0xd] =	wrdreg s25  }
0x13: {  	s7 =	smax.u32 s1, $0x1;
	s8 =	simm.s32 $0x2;
	[dreg:$0xe] =	wrdreg s26  }
0x14: {  	s18 =	simm.s32 $0x9880;
	s19 =	simm.s32 $0xA080;
	s20 =	simm.s32 $0xA880  }
0x15: {  	s22 =	simm.s32 $0xB880;
	s23 =	simm.s32 $0xC080;
	s24 =	simm.s32 $0xC880  }
0x16: {  	v2 =	vlaneseq.u32;
	s25 =	simm.s32 $0xD080;
	s26 =	simm.s32 $0xD880;
	s1 =	simm.s32 $0x1  }
0x17: {  	vm0 =	vmmov $0xffff;
	v1 =	vshrl.u32 v2, $0x3;
	s5 =	sadd.s32 $0xB1600, s5;
	[dreg:$0x4] =	wrdreg s3;
	s3 =	sadd.s32 $0xB1C00, s6  }
0x18: {  	v0 =	vand.u32 $0x7, v2;
	v2 =	vor.u32 $0x8, v2;
	v1 =	vmul.u32 $0x8, v1;
	[dreg:$0x3] =	wrdreg s5;
	s5 =	sadd.s32 $0xB1E00, s6;
	s6 =	sadd.s32 $0xB1F00, s6  }
.LBB2_1:
0x19: {  	s0 =	rddreg [dreg:$0x3]  }
0x1a: {  	[tilespmem:s2], [sflag:$0x2] =	stream.linear.gather [hbm4b:s0+s2], $0x40, $0x38;
	[tilespmem:$0x10080] =	vst v63  }
0x1b: {  	_ =	swait.ge [sflag:s8], $0x40  }
0x1c: {  	[sflag:s8] =	ssyncset.done $0x0  }
0x1d: {  	[sflag:s8] =	ssyncadd.s32 $0xFFFFFFC0  }
0x1e: {  	v3 =	vld [tilespmem:$0x0];
	_ =	sdelay $0x4  }
0x1f: {  	v4 =	vshll.u32 v3, $0x3  }
0x20: {  	v3 =	vand.u32 $0x7, v3;
	v4 =	vand.u32 $0xFFFFFFC0, v4  }
0x21: {  	v3 =	vor.u32 v3, v4  }
0x22: {  	v4 =	vperm.xlane v3, v0;
	_ =	sdelay $0x1  }
0x23: {  	v4 =	vadd.s32 v1, v4;
	_ =	sdelay $0x4  }
0x24: {  	[tilespmem:s9], [sflag:$0x1] =	stream.indirect_vreg.gather [hbm4b:s3+s2], $0x80, v4, vm0, $0xb8;
	[tilespmem:$0x10080] =	vst v63  }
0x25: {  	s0 =	rddreg [dreg:$0x5];
	v3 =	vperm.xlane v3, v2  }
0x26: {  	[tilespmem:s0], [sflag:$0x1] =	stream.indirect_vreg.gather [hbm4b:s4+s2], $0x80, v4, vm0, $0xb8;
	[tilespmem:$0x10080] =	vst v63  }
0x27: {  	s10 =	rddreg [dreg:$0x6];
	v3 =	vadd.s32 v1, v3  }
0x28: {  	[tilespmem:s10], [sflag:$0x1] =	stream.indirect_vreg.gather [hbm4b:s5+s2], $0x80, v4, vm0, $0xb8;
	[tilespmem:$0x10080] =	vst v63  }
0x29: {  	s0 =	rddreg [dreg:$0x7]  }
0x2a: {  	[tilespmem:s0], [sflag:$0x1] =	stream.indirect_vreg.gather [hbm4b:s6+s2], $0x80, v4, vm0, $0xb8;
	[tilespmem:$0x10080] =	vst v63  }
0x2b: {  	s10 =	rddreg [dreg:$0x8]  }
0x2c: {  	[tilespmem:s10], [sflag:$0x1] =	stream.indirect_vreg.gather [hbm4b:s3+s2], $0x80, v3, vm0, $0xb8;
	[tilespmem:$0x10080] =	vst v63  }
0x2d: {  	s0 =	rddreg [dreg:$0x9]  }
0x2e: {  	[tilespmem:s0], [sflag:$0x1] =	stream.indirect_vreg.gather [hbm4b:s4+s2], $0x80, v3, vm0, $0xb8;
	[tilespmem:$0x10080] =	vst v63  }
0x2f: {  	s10 =	rddreg [dreg:$0xa]  }
0x30: {  	[tilespmem:s10], [sflag:$0x1] =	stream.indirect_vreg.gather [hbm4b:s5+s2], $0x80, v3, vm0, $0xb8;
	[tilespmem:$0x10080] =	vst v63  }
0x31: {  	s0 =	rddreg [dreg:$0xb]  }
0x32: {  	[tilespmem:s0], [sflag:$0x1] =	stream.indirect_vreg.gather [hbm4b:s6+s2], $0x80, v3, vm0, $0xb8;
	[tilespmem:$0x10080] =	vst v63  }
0x33: {  	v3 =	vld [tilespmem:$0x10];
	_ =	sdelay $0x4  }
0x34: {  	v61 =	vshll.u32 v3, $0x3  }
0x35: {  	v3 =	vand.u32 $0x7, v3;
	v4 =	vand.u32 $0xFFFFFFC0, v61  }
0x36: {  	v3 =	vor.u32 v3, v4  }
0x37: {  	v4 =	vperm.xlane v3, v0;
	_ =	sdelay $0x1  }
0x38: {  	v4 =	vadd.s32 v1, v4;
	_ =	sdelay $0x3  }
0x39: {  	s0 =	rddreg [dreg:$0xc]  }
0x3a: {  	[tilespmem:s0], [sflag:$0x1] =	stream.indirect_vreg.gather [hbm4b:s3+s2], $0x80, v4, vm0, $0xb8;
	[tilespmem:$0x10080] =	vst v63  }
0x3b: {  	s10 =	rddreg [dreg:$0xd];
	v3 =	vperm.xlane v3, v2  }
0x3c: {  	[tilespmem:s10], [sflag:$0x1] =	stream.indirect_vreg.gather [hbm4b:s4+s2], $0x80, v4, vm0, $0xb8;
	[tilespmem:$0x10080] =	vst v63  }
0x3d: {  	v3 =	vadd.s32 v1, v3;
	s0 =	rddreg [dreg:$0xe]  }
0x3e: {  	[tilespmem:s0], [sflag:$0x1] =	stream.indirect_vreg.gather [hbm4b:s5+s2], $0x80, v4, vm0, $0xb8;
	[tilespmem:$0x10080] =	vst v63  }
0x3f: {  	s10 =	simm.s32 $0x5880  }
0x40: {  	[tilespmem:s10], [sflag:$0x1] =	stream.indirect_vreg.gather [hbm4b:s6+s2], $0x80, v4, vm0, $0xb8;
	[tilespmem:$0x10080] =	vst v63  }
0x41: {  	_ = 	snop  }
0x42: {  	[tilespmem:s11], [sflag:$0x1] =	stream.indirect_vreg.gather [hbm4b:s3+s2], $0x80, v3, vm0, $0xb8;
	[tilespmem:$0x10080] =	vst v63  }
0x43: {  	_ = 	snop  }
0x44: {  	[tilespmem:s12], [sflag:$0x1] =	stream.indirect_vreg.gather [hbm4b:s4+s2], $0x80, v3, vm0, $0xb8;
	[tilespmem:$0x10080] =	vst v63  }
0x45: {  	_ = 	snop  }
0x46: {  	[tilespmem:s13], [sflag:$0x1] =	stream.indirect_vreg.gather [hbm4b:s5+s2], $0x80, v3, vm0, $0xb8;
	[tilespmem:$0x10080] =	vst v63  }
0x47: {  	_ = 	snop  }
0x48: {  	[tilespmem:s14], [sflag:$0x1] =	stream.indirect_vreg.gather [hbm4b:s6+s2], $0x80, v3, vm0, $0xb8;
	[tilespmem:$0x10080] =	vst v63  }
0x49: {  	v3 =	vld [tilespmem:$0x20];
	_ =	sdelay $0x4  }
0x4a: {  	v62 =	vshll.u32 v3, $0x3  }
0x4b: {  	v3 =	vand.u32 $0x7, v3;
	v4 =	vand.u32 $0xFFFFFFC0, v62  }
0x4c: {  	v3 =	vor.u32 v3, v4  }
0x4d: {  	v4 =	vperm.xlane v3, v0;
	_ =	sdelay $0x1  }
0x4e: {  	v4 =	vadd.s32 v1, v4;
	_ =	sdelay $0x4  }
0x4f: {  	[tilespmem:s15], [sflag:$0x1] =	stream.indirect_vreg.gather [hbm4b:s3+s2], $0x80, v4, vm0, $0xb8;
	[tilespmem:$0x10080] =	vst v63  }
0x50: {  	v3 =	vperm.xlane v3, v2  }
0x51: {  	[tilespmem:s16], [sflag:$0x1] =	stream.indirect_vreg.gather [hbm4b:s4+s2], $0x80, v4, vm0, $0xb8;
	[tilespmem:$0x10080] =	vst v63  }
0x52: {  	v3 =	vadd.s32 v1, v3  }
0x53: {  	[tilespmem:s17], [sflag:$0x1] =	stream.indirect_vreg.gather [hbm4b:s5+s2], $0x80, v4, vm0, $0xb8;
	[tilespmem:$0x10080] =	vst v63  }
0x54: {  	_ = 	snop  }
0x55: {  	[tilespmem:s18], [sflag:$0x1] =	stream.indirect_vreg.gather [hbm4b:s6+s2], $0x80, v4, vm0, $0xb8;
	[tilespmem:$0x10080] =	vst v63  }
0x56: {  	_ = 	snop  }
0x57: {  	[tilespmem:s19], [sflag:$0x1] =	stream.indirect_vreg.gather [hbm4b:s3+s2], $0x80, v3, vm0, $0xb8;
	[tilespmem:$0x10080] =	vst v63  }
0x58: {  	_ = 	snop  }
0x59: {  	[tilespmem:s20], [sflag:$0x1] =	stream.indirect_vreg.gather [hbm4b:s4+s2], $0x80, v3, vm0, $0xb8;
	[tilespmem:$0x10080] =	vst v63  }
0x5a: {  	_ = 	snop  }
0x5b: {  	[tilespmem:s21], [sflag:$0x1] =	stream.indirect_vreg.gather [hbm4b:s5+s2], $0x80, v3, vm0, $0xb8;
	[tilespmem:$0x10080] =	vst v63  }
0x5c: {  	_ = 	snop  }
0x5d: {  	[tilespmem:s22], [sflag:$0x1] =	stream.indirect_vreg.gather [hbm4b:s6+s2], $0x80, v3, vm0, $0xb8;
	[tilespmem:$0x10080] =	vst v63  }
0x5e: {  	v3 =	vld [tilespmem:$0x30];
	_ =	sdelay $0x4  }
0x5f: {  	v63 =	vshll.u32 v3, $0x3  }
0x60: {  	v3 =	vand.u32 $0x7, v3;
	v4 =	vand.u32 $0xFFFFFFC0, v63  }
0x61: {  	v3 =	vor.u32 v3, v4  }
0x62: {  	v4 =	vperm.xlane v3, v0;
	_ =	sdelay $0x1  }
0x63: {  	v4 =	vadd.s32 v1, v4;
	_ =	sdelay $0x4  }
0x64: {  	[tilespmem:s23], [sflag:$0x1] =	stream.indirect_vreg.gather [hbm4b:s3+s2], $0x80, v4, vm0, $0xb8;
	[tilespmem:$0x10080] =	vst v63  }
0x65: {  	v3 =	vperm.xlane v3, v2  }
0x66: {  	[tilespmem:s24], [sflag:$0x1] =	stream.indirect_vreg.gather [hbm4b:s4+s2], $0x80, v4, vm0, $0xb8;
	[tilespmem:$0x10080] =	vst v63  }
0x67: {  	v3 =	vadd.s32 v1, v3  }
0x68: {  	[tilespmem:s25], [sflag:$0x1] =	stream.indirect_vreg.gather [hbm4b:s5+s2], $0x80, v4, vm0, $0xb8;
	[tilespmem:$0x10080] =	vst v63  }
0x69: {  	_ = 	snop  }
0x6a: {  	[tilespmem:s26], [sflag:$0x1] =	stream.indirect_vreg.gather [hbm4b:s6+s2], $0x80, v4, vm0, $0xb8;
	[tilespmem:$0x10080] =	vst v63  }
0x6b: {  	_ = 	snop  }
0x6c: {  	[tilespmem:s28], [sflag:$0x1] =	stream.indirect_vreg.gather [hbm4b:s3+s2], $0x80, v3, vm0, $0xb8;
	[tilespmem:$0x10080] =	vst v63  }
0x6d: {  	_ = 	snop  }
0x6e: {  	[tilespmem:s29], [sflag:$0x1] =	stream.indirect_vreg.gather [hbm4b:s4+s2], $0x80, v3, vm0, $0xb8;
	[tilespmem:$0x10080] =	vst v63  }
0x6f: {  	_ = 	snop  }
0x70: {  	[tilespmem:s30], [sflag:$0x1] =	stream.indirect_vreg.gather [hbm4b:s5+s2], $0x80, v3, vm0, $0xb8;
	[tilespmem:$0x10080] =	vst v63  }
0x71: {  	_ = 	snop  }
0x72: {  	[tilespmem:s31], [sflag:$0x1] =	stream.indirect_vreg.gather [hbm4b:s6+s2], $0x80, v3, vm0, $0xb8;
	[tilespmem:$0x10080] =	vst v63  }
0x73: {  	_ =	swait.ge [sflag:s1], $0x10000  }
0x74: {  	p0 =	sne.s32 s7, $0x1;
	[sflag:s1] =	ssyncset.done $0x0  }
.Ltmp0:
0x75: {  	s10 =	rddreg [dreg:$0x4];
	[sflag:s1] =	ssyncadd.s32 $0xFFFF0000;
	(pc) =	sbr.rel @p0 .LBB2_1-.Ltmp0, $4  }
0x76: {  	[hbm4b:s10+s2] =	stream.linear.scatter [tilespmem:s9], [sflag:$0x2], $0x10000, $0x38;
	[tilespmem:$0x10080] =	vst v63  }
0x77: {  	_ =	swait.ge [sflag:s8], $0x10000  }
0x78: {  	[sflag:s8] =	ssyncset.done $0x0  }
0x79: {  	s7 =	sadd.s32 $0xFFFFFFFF, s7;
	[sflag:s8] =	ssyncadd.s32 $0xFFFF0000  }
0x7a: {  	_ =	sfence.sel $0x180000  }
0x7b: {  	[bflag:$0x0] =	sbarrier.arrive $0xFFFF  }
0x7c: {  	_ =	strace $0x9000004E  }
0x7d: {  	s0 =	stileid.u32;
	[bflag:$0x2] =	sbarrier.arrive $0xFFFF  }
0x7e: {  	p0 =	sne.s32 s0, $0x0;
	s0 =	rddreg [dreg:$0x2]  }
0x7f: {  	s0 =	sadd.s32 @!p0 $0x100000, s0  }
0x80: {  	[sflag:s0] =	ssyncadd.tile.s32 @!p0 $0x1;
	_ =	shalt  }
.Lfunc_end2:
_tile_overlayer_lowered:
.L_overlay_start_2:
0x81: {  	(tag) =	ssettag $0x2  }
0x82: {  	s0 =	rddreg [dreg:$0x0];
	s2 =	stileid.u32  }
0x83: {  	s1 =	rddreg [dreg:$0x1];
	p0 =	sne.s32 s2, $0x0  }
0x84: {  	s3 =	rddreg [dreg:$0x2];
	[bflag:$0x3] =	sbarrier.arrive $0xFFFF;
	s2 =	simm.s32 @!p0 $0x1C02  }
0x85: {  	[timem:s3], [sflag:s2] =	dma.local @!p0 [hbm:s0], s1  }
0x86: {  	s0 =	simm.s32 @!p0 $0x2  }
0x87: {  	_ =	swait.ge @!p0 [sflag:s0], s1  }
0x88: {  	s1 =	ssub.s32 @!p0 $0x0, s1;
	[sflag:s0] =	ssyncset.done @!p0 $0x0  }
0x89: {  	[sflag:s0] =	ssyncadd.s32 @!p0 s1  }
0x8a: {  	[bflag:$0x3] =	sbarrier.arrive $0xFFFF  }
0x8b: {  	_ =	shalt  }

</sc_bundles>
